<compile_context>
chip_gen: v7x
topology: tpu7x:2x2x1
jax: 0.10.2.dev20260603
libtpu: 0.0.44.dev20260713+nightly
codegen_flags: <defaults>
</compile_context>

<pallas_src>
import functools

import jax
import jax.numpy as jnp
from jax import lax
from jax.experimental import pallas as pl
from jax.experimental.pallas import tpu as pltpu
from jax.experimental.pallas import tpu_sc as plsc

NC = 2
NS = 16
NW = NC * NS
K = 64
T = 16


def _sc_body(n, cpw, d, meta_hbm, x_hbm, embc_hbm, acc_out,
             metav0, metav1, metav2, metav3, rowsv0, rowsv1, ebuf0, ebuf1,
             tbuf0, tbuf1, accsh,
             msem0, msem1, gsem0, gsem1, ssem0, ssem1):
    cid = lax.axis_index("c")
    sid = lax.axis_index("s")
    wid = sid * NC + cid

    metav = (metav0, metav1, metav2, metav3)
    rowsv = (rowsv0, rowsv1)
    ebuf = (ebuf0, ebuf1)
    tbuf = (tbuf0, tbuf1)
    msem = (msem0, msem1)
    gsem = (gsem0, gsem1)
    ssem = (ssem0, ssem1)

    rows8 = (n // NS) // 8 * 8
    tail = n - rows8 * NS

    zero16 = jnp.zeros((16,), jnp.float32)

    @pl.loop(0, K * (d // 16))
    def _zrows(i):
        rowsv0[i // (d // 16), pl.ds((i % (d // 16)) * 16, 16)] = zero16

    base_r = sid * rows8
    nfull = rows8 // K
    rem = rows8 - nfull * K
    for c in range(nfull):
        pltpu.sync_copy(rowsv0, accsh.at[pl.ds(base_r + c * K, K)])
    if rem:
        pltpu.sync_copy(rowsv0.at[pl.ds(0, rem)],
                        accsh.at[pl.ds(base_r + nfull * K, rem)])
    if tail:
        @pl.when(sid == NS - 1)
        def _ztail():
            pltpu.sync_copy(rowsv0.at[pl.ds(0, tail)],
                            accsh.at[pl.ds(rows8 * NS, tail)])

    plsc.subcore_barrier()

    def chunk_id(j):
        return jnp.minimum(j, cpw - 1) * NW + wid

    embc_base = wid * T

    def compute_t(mq, b):
        @pl.loop(0, K // 16)
        def _t(g):
            sl = pl.ds(g * 16, 16)
            tbuf[b][sl] = (metav[mq][2, sl] * 3 + metav[mq][3, sl]
                           + embc_base)

    def issue_gathers(mq, b):
        pltpu.async_copy(x_hbm.at[metav[mq].at[1]], rowsv[b], gsem[b])
        pltpu.async_copy(embc_hbm.at[tbuf[b]], ebuf[b], gsem[b])

    def drain_gathers(b):
        pltpu.make_async_copy(x_hbm.at[pl.ds(0, K)], rowsv[b], gsem[b]).wait()
        pltpu.make_async_copy(x_hbm.at[pl.ds(0, K)], ebuf[b], gsem[b]).wait()

    def process(j, it, b, nb, p):
        pltpu.make_async_copy(meta_hbm.at[0], metav[0], msem[nb]).wait()
        compute_t((p + 1) % 4, nb)

        def drain_s():
            pltpu.make_async_copy(
                rowsv[nb], accsh.at[metav[(p + 3) % 4].at[0]],
                ssem[nb]).wait()
        if p == 0:
            @pl.when(it > 0)
            def _d():
                drain_s()
        else:
            drain_s()
        issue_gathers((p + 1) % 4, nb)
        pltpu.async_copy(meta_hbm.at[chunk_id(j + 2)], metav[(p + 2) % 4],
                         msem[b])
        drain_gathers(b)

        @pl.loop(0, K)
        def _add(r):
            for c in range(d // 16):
                sl = pl.ds(c * 16, 16)
                rowsv[b][r, sl] = rowsv[b][r, sl] + ebuf[b][r, sl]

        pltpu.async_copy(rowsv[b], accsh.at[metav[p].at[0]], ssem[b],
                         add=True)

    pltpu.sync_copy(meta_hbm.at[chunk_id(0)], metav[0])
    compute_t(0, 0)
    issue_gathers(0, 0)
    pltpu.async_copy(meta_hbm.at[chunk_id(1)], metav[1], msem[1])

    @pl.loop(0, cpw // 4)
    def _quads(it):
        for p in range(4):
            process(4 * it + p, it, p % 2, 1 - p % 2, p)

    pltpu.make_async_copy(meta_hbm.at[0], metav[0], msem[1]).wait()
    drain_gathers(0)
    pltpu.make_async_copy(rowsv[1], accsh.at[metav[3].at[0]], ssem[1]).wait()

    plsc.subcore_barrier()

    pltpu.sync_copy(accsh.at[pl.ds(base_r, rows8)],
                    acc_out.at[cid, pl.ds(base_r, rows8)])
    if tail:
        @pl.when(sid == NS - 1)
        def _ctail():
            pltpu.sync_copy(accsh.at[pl.ds(rows8 * NS, tail)],
                            acc_out.at[cid, pl.ds(rows8 * NS, tail)])


def _mlp_body(acc_ref, x_ref, emb1_ref, emb2_ref,
              w1_ref, b1_ref, w2_ref, b2_ref, out_ref):
    c0 = emb1_ref[4:5, :] + emb2_ref[0:1, :]
    m = acc_ref[0] + acc_ref[1] + x_ref[...] + c0
    h = jnp.maximum(jnp.dot(m, w1_ref[...], preferred_element_type=jnp.float32)
                    + b1_ref[...], 0.0)
    out_ref[...] = (jnp.dot(h, w2_ref[...], preferred_element_type=jnp.float32)
                    + b2_ref[...])


@jax.jit
def kernel(x, edge_index, edge_attr, emb1, emb2, W1, b1, W2, b2):
    n, d = x.shape
    e = edge_index.shape[1]
    assert n % NS == 0 and d % 16 == 0

    quantum = 4 * NW * K
    epad = -(-e // quantum) * quantum
    cpw = epad // (NW * K)
    meta = jnp.concatenate(
        [edge_index.astype(jnp.int32), edge_attr.T.astype(jnp.int32)], axis=0)
    pi = jnp.arange(epad - e, dtype=jnp.int32)
    pad = jnp.stack([n + pi % 64, pi % n, pi % 5, pi % 3])
    meta = jnp.concatenate([meta, pad], axis=1)
    meta3 = meta.reshape(4, epad // K, K).transpose(1, 0, 2)

    ti = jnp.arange(T)
    embc = jnp.where((ti < 15)[:, None],
                     emb1[jnp.minimum(ti // 3, 4)] + emb2[ti % 3], 0.0)
    embc = jnp.tile(embc, (NW, 1))

    mesh = plsc.VectorSubcoreMesh(core_axis_name="c", subcore_axis_name="s")
    acc = pl.kernel(
        functools.partial(_sc_body, n, cpw, d),
        out_type=jax.ShapeDtypeStruct((NC, n, d), jnp.float32),
        mesh=mesh,
        scratch_types=[
            pltpu.VMEM((4, K), jnp.int32),
            pltpu.VMEM((4, K), jnp.int32),
            pltpu.VMEM((4, K), jnp.int32),
            pltpu.VMEM((4, K), jnp.int32),
            pltpu.VMEM((K, d), jnp.float32),
            pltpu.VMEM((K, d), jnp.float32),
            pltpu.VMEM((K, d), jnp.float32),
            pltpu.VMEM((K, d), jnp.float32),
            pltpu.VMEM((K,), jnp.int32),
            pltpu.VMEM((K,), jnp.int32),
            pltpu.VMEM_SHARED((n + 64, d), jnp.float32),
            pltpu.SemaphoreType.DMA,
            pltpu.SemaphoreType.DMA,
            pltpu.SemaphoreType.DMA,
            pltpu.SemaphoreType.DMA,
            pltpu.SemaphoreType.DMA,
            pltpu.SemaphoreType.DMA,
        ],
    )(meta3, x, embc)

    rblk = 2000
    grid = n // rblk
    out = pl.pallas_call(
        _mlp_body,
        grid=(grid,),
        in_specs=[
            pl.BlockSpec((NC, rblk, d), lambda i: (0, i, 0)),
            pl.BlockSpec((rblk, d), lambda i: (i, 0)),
            pl.BlockSpec(emb1.shape, lambda i: (0, 0)),
            pl.BlockSpec(emb2.shape, lambda i: (0, 0)),
            pl.BlockSpec(W1.shape, lambda i: (0, 0)),
            pl.BlockSpec((1, W1.shape[1]), lambda i: (0, 0)),
            pl.BlockSpec(W2.shape, lambda i: (0, 0)),
            pl.BlockSpec((1, W2.shape[1]), lambda i: (0, 0)),
        ],
        out_specs=pl.BlockSpec((rblk, d), lambda i: (i, 0)),
        out_shape=jax.ShapeDtypeStruct((n, d), jnp.float32),
    )(acc, x, emb1, emb2, W1, b1.reshape(1, -1), W2, b2.reshape(1, -1))
    return out

# --- scband reference (transcript-rebuilt; emitter-appended) ---
"""Pipeline reference for scband-gineconv-layer-1494648619556 (READ-ONLY COPY).

The authoritative reference and input builder live on the scoring server;
editing this copy changes nothing except your own understanding.
"""

import jax, jax.numpy as jnp
import numpy as np

N = 10000
E = 320000
D = 128
NUM_BOND_TYPE = 5
NUM_BOND_DIR = 3

def _xavier(key, shape):
    a = float(np.sqrt(6.0 / (shape[0] + shape[1])))
    return jax.random.uniform(key, shape, jnp.float32, -a, a)

def setup_inputs(seed: int = 0) -> dict:
    key = jax.random.key(seed)
    ks = jax.random.split(key, 10)
    x = jax.random.normal(ks[0], (N, D), jnp.float32)
    edge_index = jax.random.randint(ks[1], (2, E), 0, N, jnp.int32)
    edge_attr = jax.random.randint(ks[2], (E, 2), 0, 3, jnp.int32)
    emb1 = _xavier(ks[3], (NUM_BOND_TYPE, D))
    emb2 = _xavier(ks[4], (NUM_BOND_DIR, D))
    W1 = _xavier(ks[5], (D, 2 * D))
    b1 = jnp.zeros((2 * D,), jnp.float32)
    W2 = _xavier(ks[6], (2 * D, D))
    b2 = jnp.zeros((D,), jnp.float32)
    return {"x": x, "edge_index": edge_index, "edge_attr": edge_attr,
            "emb1": emb1, "emb2": emb2, "W1": W1, "b1": b1, "W2": W2, "b2": b2}

def reference(x, edge_index, edge_attr, emb1, emb2, W1, b1, W2, b2):
    n = x.shape[0]
    self_loops = jnp.arange(n, dtype=edge_index.dtype)
    ei = jnp.concatenate([edge_index, jnp.stack([self_loops, self_loops], axis=0)], axis=1)
    sl_attr = jnp.zeros((n, 2), dtype=edge_attr.dtype).at[:, 0].set(4)
    ea = jnp.concatenate([edge_attr, sl_attr], axis=0)
    edge_embeddings = jnp.take(emb1, ea[:, 0], axis=0) + jnp.take(emb2, ea[:, 1], axis=0)
    row = ei[0]
    col = ei[1]
    messages = jnp.take(x, col, axis=0) + edge_embeddings
    out = jnp.zeros_like(x).at[row].add(messages)
    h = out @ W1 + b1
    h = jax.nn.relu(h)
    return h @ W2 + b2

if __name__ == "__main__":
    import jax
    _d = setup_inputs()
    print(jax.jit(kernel)(*tuple(_d.values())))

</pallas_src>

<mosaic_0001>
#map = affine_map<(d0, d1) -> (0, 0, 0)>
#map1 = affine_map<(d0, d1) -> (0, 0)>
module attributes {stable_mosaic.version = 14 : i64} {
  func.func @_sc_body(%arg0: i32, %arg1: i32, %arg2: memref<5120x4x64xi32, #tpu.memory_space<hbm>>, %arg3: memref<10000x128xf32, #tpu.memory_space<hbm>>, %arg4: memref<512x128xf32, #tpu.memory_space<hbm>>, %arg5: memref<2x10000x128xf32, #tpu.memory_space<hbm>>, %arg6: memref<4x64xi32, #tpu.memory_space<vmem>>, %arg7: memref<4x64xi32, #tpu.memory_space<vmem>>, %arg8: memref<4x64xi32, #tpu.memory_space<vmem>>, %arg9: memref<4x64xi32, #tpu.memory_space<vmem>>, %arg10: memref<64x128xf32, #tpu.memory_space<vmem>>, %arg11: memref<64x128xf32, #tpu.memory_space<vmem>>, %arg12: memref<64x128xf32, #tpu.memory_space<vmem>>, %arg13: memref<64x128xf32, #tpu.memory_space<vmem>>, %arg14: memref<64xi32, #tpu.memory_space<vmem>>, %arg15: memref<64xi32, #tpu.memory_space<vmem>>, %arg16: memref<10064x128xf32, #tpu.memory_space<vmem_shared>>, %arg17: memref<!tpu.dma_semaphore, #tpu.memory_space<semaphore_mem>>, %arg18: memref<!tpu.dma_semaphore, #tpu.memory_space<semaphore_mem>>, %arg19: memref<!tpu.dma_semaphore, #tpu.memory_space<semaphore_mem>>, %arg20: memref<!tpu.dma_semaphore, #tpu.memory_space<semaphore_mem>>, %arg21: memref<!tpu.dma_semaphore, #tpu.memory_space<semaphore_mem>>, %arg22: memref<!tpu.dma_semaphore, #tpu.memory_space<semaphore_mem>>) attributes {dimension_semantics = [#tpu.dimension_semantics<core_parallel>, #tpu.dimension_semantics<subcore_parallel>], iteration_bounds = array<i64: 2, 16>, scalar_prefetch = 0 : i64, scratch_operands = 17 : i64, tpu.core_type = #tpu.core_type<sc_vector_subcore>, window_params = [{transform_indices = #map}, {transform_indices = #map1}, {transform_indices = #map1}, {transform_indices = #map}]} {
    %mul3A = arith.constant 2 : i32
    %mul3A_0 = arith.muli %arg1, %mul3A : i32
    %add3A = arith.addi %mul3A_0, %arg0 : i32
    %broadcast_in_dim3A = arith.constant 0.000000e+00 : f32
    %broadcast_in_dim3A_1 = vector.broadcast %broadcast_in_dim3A : f32 to vector<16xf32>
    %scan3A = arith.constant 0 : i32
    %scan3A_2 = arith.constant 512 : i32
    %scan3A_3 = arith.addi %scan3A, %scan3A_2 : i32
    %scan3A_4 = arith.constant 1 : i32
    scf.for %scan3A_103 = %scan3A to %scan3A_3 step %scan3A_4  : i32 {
      %mul3A_104 = arith.constant 1 : i32
      %mul3A_105 = arith.muli %scan3A_103, %mul3A_104 : i32
      %add3A_106 = arith.constant 0 : i32
      %add3A_107 = arith.addi %add3A_106, %mul3A_105 : i32
      %jit3A = arith.constant 8 : i32
      %div3A = arith.divsi %add3A_107, %jit3A : i32
      %sign3A = arith.constant 0 : i32
      %sign3A_108 = arith.cmpi sgt, %add3A_107, %sign3A : i32
      %sign3A_109 = arith.extui %sign3A_108 : i1 to i32
      %sign3A_110 = arith.constant 0 : i32
      %sign3A_111 = arith.cmpi slt, %add3A_107, %sign3A_110 : i32
      %sign3A_112 = arith.extui %sign3A_111 : i1 to i32
      %sign3A_113 = arith.subi %sign3A_109, %sign3A_112 : i32
      %sign3A_114 = arith.constant 0 : i32
      %sign3A_115 = arith.cmpi sgt, %jit3A, %sign3A_114 : i32
      %sign3A_116 = arith.extui %sign3A_115 : i1 to i32
      %sign3A_117 = arith.constant 0 : i32
      %sign3A_118 = arith.cmpi slt, %jit3A, %sign3A_117 : i32
      %sign3A_119 = arith.extui %sign3A_118 : i1 to i32
      %sign3A_120 = arith.subi %sign3A_116, %sign3A_119 : i32
      %ne3A = arith.cmpi ne, %sign3A_113, %sign3A_120 : i32
      %rem3A = arith.remsi %add3A_107, %jit3A : i32
      %ne3A_121 = arith.constant 0 : i32
      %ne3A_122 = arith.cmpi ne, %rem3A, %ne3A_121 : i32
      %and3A = arith.andi %ne3A, %ne3A_122 : i1
      %sub3A = arith.constant 1 : i32
      %sub3A_123 = arith.subi %div3A, %sub3A : i32
      %select_n3A = arith.select %and3A, %sub3A_123, %div3A : i32
      %jit3A_124 = arith.constant 8 : i32
      %eq3A_125 = arith.constant 0 : i32
      %eq3A_126 = arith.cmpi eq, %jit3A_124, %eq3A_125 : i32
      %jit3A_127 = arith.constant 1 : i32
      %select_n3A_128 = arith.select %eq3A_126, %jit3A_127, %jit3A_124 : i32
      %rem3A_129 = arith.remsi %add3A_107, %select_n3A_128 : i32
      %ne3A_130 = arith.constant 0 : i32
      %ne3A_131 = arith.cmpi ne, %rem3A_129, %ne3A_130 : i32
      %lt3A = arith.constant 0 : i32
      %lt3A_132 = arith.cmpi slt, %rem3A_129, %lt3A : i32
      %lt3A_133 = arith.constant 0 : i32
      %lt3A_134 = arith.cmpi slt, %select_n3A_128, %lt3A_133 : i32
      %ne3A_135 = arith.xori %lt3A_132, %lt3A_134 : i1
      %and3A_136 = arith.andi %ne3A_135, %ne3A_131 : i1
      %add3A_137 = arith.addi %rem3A_129, %select_n3A_128 : i32
      %select_n3A_138 = arith.select %and3A_136, %add3A_137, %rem3A_129 : i32
      %mul3A_139 = arith.constant 16 : i32
      %mul3A_140 = arith.muli %select_n3A_138, %mul3A_139 : i32
      %swap3A = arith.index_cast %select_n3A : i32 to index
      %swap3A_141 = arith.index_cast %mul3A_140 : i32 to index
      %swap3A_142 = tpu.vector_load %arg10[%swap3A, %swap3A_141] {strides = array<i32>} : memref<64x128xf32, #tpu.memory_space<vmem>>, vector<1x16xf32>,
      %swap3A_143 = vector.shape_cast %swap3A_142 : vector<1x16xf32> to vector<16xf32>
      %swap3A_144 = vector.shape_cast %broadcast_in_dim3A_1 : vector<16xf32> to vector<1x16xf32>
      tpu.vector_store %arg10[%swap3A, %swap3A_141], %swap3A_144 {strides = array<i32>} : memref<64x128xf32, #tpu.memory_space<vmem>>, vector<1x16xf32>,
    }
    %scan3A_5 = arith.constant 512 : i32
    %mul3A_6 = arith.constant 624 : i32
    %mul3A_7 = arith.muli %arg1, %mul3A_6 : i32
    %add3A_8 = arith.constant 0 : i32
    %add3A_9 = arith.addi %mul3A_7, %add3A_8 : i32
    "tpu.region"() ({
      %run_scoped3A = tpu.sem_alloc : memref<!tpu.dma_semaphore, #tpu.memory_space<semaphore_mem>>
      %dma_start3A_103 = arith.constant 0 : i32
      %dma_start3A_104 = tpu.memref_slice %arg16[%add3A_9, %dma_start3A_103] : memref<10064x128xf32, #tpu.memory_space<vmem_shared>> -> memref<64x128xf32, #tpu.memory_space<vmem_shared>>
      %dma_start3A_105 = arith.constant 0 : i32
      %dma_start3A_106 = tpu.memref_slice %arg16[%add3A_9, %dma_start3A_105] : memref<10064x128xf32, #tpu.memory_space<vmem_shared>> -> memref<64x128xf32, #tpu.memory_space<vmem_shared>>
      tpu.enqueue_dma source(%arg10 : memref<64x128xf32, #tpu.memory_space<vmem>>) target(%dma_start3A_106 : memref<64x128xf32, #tpu.memory_space<vmem_shared>>) target_semaphore(%run_scoped3A : memref<!tpu.dma_semaphore, #tpu.memory_space<semaphore_mem>>)
      %dma_wait3A_107 = arith.constant 0 : i32
      %dma_wait3A_108 = tpu.memref_slice %arg16[%add3A_9, %dma_wait3A_107] : memref<10064x128xf32, #tpu.memory_space<vmem_shared>> -> memref<64x128xf32, #tpu.memory_space<vmem_shared>>
      %dma_wait3A_109 = arith.constant 0 : i32
      %dma_wait3A_110 = tpu.memref_slice %arg16[%add3A_9, %dma_wait3A_109] : memref<10064x128xf32, #tpu.memory_space<vmem_shared>> -> memref<64x128xf32, #tpu.memory_space<vmem_shared>>
      tpu.wait_dma2 semaphore(%run_scoped3A : memref<!tpu.dma_semaphore, #tpu.memory_space<semaphore_mem>>) src(%arg10 : memref<64x128xf32, #tpu.memory_space<vmem>>) dst(%dma_wait3A_110 : memref<64x128xf32, #tpu.memory_space<vmem_shared>>)
      tpu.yield
    }) : () -> ()
    %add3A_10 = arith.constant 64 : i32
    %add3A_11 = arith.addi %mul3A_7, %add3A_10 : i32
    "tpu.region"() ({
      %run_scoped3A = tpu.sem_alloc : memref<!tpu.dma_semaphore, #tpu.memory_space<semaphore_mem>>
      %dma_start3A_103 = arith.constant 0 : i32
      %dma_start3A_104 = tpu.memref_slice %arg16[%add3A_11, %dma_start3A_103] : memref<10064x128xf32, #tpu.memory_space<vmem_shared>> -> memref<64x128xf32, #tpu.memory_space<vmem_shared>>
      %dma_start3A_105 = arith.constant 0 : i32
      %dma_start3A_106 = tpu.memref_slice %arg16[%add3A_11, %dma_start3A_105] : memref<10064x128xf32, #tpu.memory_space<vmem_shared>> -> memref<64x128xf32, #tpu.memory_space<vmem_shared>>
      tpu.enqueue_dma source(%arg10 : memref<64x128xf32, #tpu.memory_space<vmem>>) target(%dma_start3A_106 : memref<64x128xf32, #tpu.memory_space<vmem_shared>>) target_semaphore(%run_scoped3A : memref<!tpu.dma_semaphore, #tpu.memory_space<semaphore_mem>>)
      %dma_wait3A_107 = arith.constant 0 : i32
      %dma_wait3A_108 = tpu.memref_slice %arg16[%add3A_11, %dma_wait3A_107] : memref<10064x128xf32, #tpu.memory_space<vmem_shared>> -> memref<64x128xf32, #tpu.memory_space<vmem_shared>>
      %dma_wait3A_109 = arith.constant 0 : i32
      %dma_wait3A_110 = tpu.memref_slice %arg16[%add3A_11, %dma_wait3A_109] : memref<10064x128xf32, #tpu.memory_space<vmem_shared>> -> memref<64x128xf32, #tpu.memory_space<vmem_shared>>
      tpu.wait_dma2 semaphore(%run_scoped3A : memref<!tpu.dma_semaphore, #tpu.memory_space<semaphore_mem>>) src(%arg10 : memref<64x128xf32, #tpu.memory_space<vmem>>) dst(%dma_wait3A_110 : memref<64x128xf32, #tpu.memory_space<vmem_shared>>)
      tpu.yield
    }) : () -> ()
    %add3A_12 = arith.constant 128 : i32
    %add3A_13 = arith.addi %mul3A_7, %add3A_12 : i32
    "tpu.region"() ({
      %run_scoped3A = tpu.sem_alloc : memref<!tpu.dma_semaphore, #tpu.memory_space<semaphore_mem>>
      %dma_start3A_103 = arith.constant 0 : i32
      %dma_start3A_104 = tpu.memref_slice %arg16[%add3A_13, %dma_start3A_103] : memref<10064x128xf32, #tpu.memory_space<vmem_shared>> -> memref<64x128xf32, #tpu.memory_space<vmem_shared>>
      %dma_start3A_105 = arith.constant 0 : i32
      %dma_start3A_106 = tpu.memref_slice %arg16[%add3A_13, %dma_start3A_105] : memref<10064x128xf32, #tpu.memory_space<vmem_shared>> -> memref<64x128xf32, #tpu.memory_space<vmem_shared>>
      tpu.enqueue_dma source(%arg10 : memref<64x128xf32, #tpu.memory_space<vmem>>) target(%dma_start3A_106 : memref<64x128xf32, #tpu.memory_space<vmem_shared>>) target_semaphore(%run_scoped3A : memref<!tpu.dma_semaphore, #tpu.memory_space<semaphore_mem>>)
      %dma_wait3A_107 = arith.constant 0 : i32
      %dma_wait3A_108 = tpu.memref_slice %arg16[%add3A_13, %dma_wait3A_107] : memref<10064x128xf32, #tpu.memory_space<vmem_shared>> -> memref<64x128xf32, #tpu.memory_space<vmem_shared>>
      %dma_wait3A_109 = arith.constant 0 : i32
      %dma_wait3A_110 = tpu.memref_slice %arg16[%add3A_13, %dma_wait3A_109] : memref<10064x128xf32, #tpu.memory_space<vmem_shared>> -> memref<64x128xf32, #tpu.memory_space<vmem_shared>>
      tpu.wait_dma2 semaphore(%run_scoped3A : memref<!tpu.dma_semaphore, #tpu.memory_space<semaphore_mem>>) src(%arg10 : memref<64x128xf32, #tpu.memory_space<vmem>>) dst(%dma_wait3A_110 : memref<64x128xf32, #tpu.memory_space<vmem_shared>>)
      tpu.yield
    }) : () -> ()
    %add3A_14 = arith.constant 192 : i32
    %add3A_15 = arith.addi %mul3A_7, %add3A_14 : i32
    "tpu.region"() ({
      %run_scoped3A = tpu.sem_alloc : memref<!tpu.dma_semaphore, #tpu.memory_space<semaphore_mem>>
      %dma_start3A_103 = arith.constant 0 : i32
      %dma_start3A_104 = tpu.memref_slice %arg16[%add3A_15, %dma_start3A_103] : memref<10064x128xf32, #tpu.memory_space<vmem_shared>> -> memref<64x128xf32, #tpu.memory_space<vmem_shared>>
      %dma_start3A_105 = arith.constant 0 : i32
      %dma_start3A_106 = tpu.memref_slice %arg16[%add3A_15, %dma_start3A_105] : memref<10064x128xf32, #tpu.memory_space<vmem_shared>> -> memref<64x128xf32, #tpu.memory_space<vmem_shared>>
      tpu.enqueue_dma source(%arg10 : memref<64x128xf32, #tpu.memory_space<vmem>>) target(%dma_start3A_106 : memref<64x128xf32, #tpu.memory_space<vmem_shared>>) target_semaphore(%run_scoped3A : memref<!tpu.dma_semaphore, #tpu.memory_space<semaphore_mem>>)
      %dma_wait3A_107 = arith.constant 0 : i32
      %dma_wait3A_108 = tpu.memref_slice %arg16[%add3A_15, %dma_wait3A_107] : memref<10064x128xf32, #tpu.memory_space<vmem_shared>> -> memref<64x128xf32, #tpu.memory_space<vmem_shared>>
      %dma_wait3A_109 = arith.constant 0 : i32
      %dma_wait3A_110 = tpu.memref_slice %arg16[%add3A_15, %dma_wait3A_109] : memref<10064x128xf32, #tpu.memory_space<vmem_shared>> -> memref<64x128xf32, #tpu.memory_space<vmem_shared>>
      tpu.wait_dma2 semaphore(%run_scoped3A : memref<!tpu.dma_semaphore, #tpu.memory_space<semaphore_mem>>) src(%arg10 : memref<64x128xf32, #tpu.memory_space<vmem>>) dst(%dma_wait3A_110 : memref<64x128xf32, #tpu.memory_space<vmem_shared>>)
      tpu.yield
    }) : () -> ()
    %add3A_16 = arith.constant 256 : i32
    %add3A_17 = arith.addi %mul3A_7, %add3A_16 : i32
    "tpu.region"() ({
      %run_scoped3A = tpu.sem_alloc : memref<!tpu.dma_semaphore, #tpu.memory_space<semaphore_mem>>
      %dma_start3A_103 = arith.constant 0 : i32
      %dma_start3A_104 = tpu.memref_slice %arg16[%add3A_17, %dma_start3A_103] : memref<10064x128xf32, #tpu.memory_space<vmem_shared>> -> memref<64x128xf32, #tpu.memory_space<vmem_shared>>
      %dma_start3A_105 = arith.constant 0 : i32
      %dma_start3A_106 = tpu.memref_slice %arg16[%add3A_17, %dma_start3A_105] : memref<10064x128xf32, #tpu.memory_space<vmem_shared>> -> memref<64x128xf32, #tpu.memory_space<vmem_shared>>
      tpu.enqueue_dma source(%arg10 : memref<64x128xf32, #tpu.memory_space<vmem>>) target(%dma_start3A_106 : memref<64x128xf32, #tpu.memory_space<vmem_shared>>) target_semaphore(%run_scoped3A : memref<!tpu.dma_semaphore, #tpu.memory_space<semaphore_mem>>)
      %dma_wait3A_107 = arith.constant 0 : i32
      %dma_wait3A_108 = tpu.memref_slice %arg16[%add3A_17, %dma_wait3A_107] : memref<10064x128xf32, #tpu.memory_space<vmem_shared>> -> memref<64x128xf32, #tpu.memory_space<vmem_shared>>
      %dma_wait3A_109 = arith.constant 0 : i32
      %dma_wait3A_110 = tpu.memref_slice %arg16[%add3A_17, %dma_wait3A_109] : memref<10064x128xf32, #tpu.memory_space<vmem_shared>> -> memref<64x128xf32, #tpu.memory_space<vmem_shared>>
      tpu.wait_dma2 semaphore(%run_scoped3A : memref<!tpu.dma_semaphore, #tpu.memory_space<semaphore_mem>>) src(%arg10 : memref<64x128xf32, #tpu.memory_space<vmem>>) dst(%dma_wait3A_110 : memref<64x128xf32, #tpu.memory_space<vmem_shared>>)
      tpu.yield
    }) : () -> ()
    %add3A_18 = arith.constant 320 : i32
    %add3A_19 = arith.addi %mul3A_7, %add3A_18 : i32
    "tpu.region"() ({
      %run_scoped3A = tpu.sem_alloc : memref<!tpu.dma_semaphore, #tpu.memory_space<semaphore_mem>>
      %dma_start3A_103 = arith.constant 0 : i32
      %dma_start3A_104 = tpu.memref_slice %arg16[%add3A_19, %dma_start3A_103] : memref<10064x128xf32, #tpu.memory_space<vmem_shared>> -> memref<64x128xf32, #tpu.memory_space<vmem_shared>>
      %dma_start3A_105 = arith.constant 0 : i32
      %dma_start3A_106 = tpu.memref_slice %arg16[%add3A_19, %dma_start3A_105] : memref<10064x128xf32, #tpu.memory_space<vmem_shared>> -> memref<64x128xf32, #tpu.memory_space<vmem_shared>>
      tpu.enqueue_dma source(%arg10 : memref<64x128xf32, #tpu.memory_space<vmem>>) target(%dma_start3A_106 : memref<64x128xf32, #tpu.memory_space<vmem_shared>>) target_semaphore(%run_scoped3A : memref<!tpu.dma_semaphore, #tpu.memory_space<semaphore_mem>>)
      %dma_wait3A_107 = arith.constant 0 : i32
      %dma_wait3A_108 = tpu.memref_slice %arg16[%add3A_19, %dma_wait3A_107] : memref<10064x128xf32, #tpu.memory_space<vmem_shared>> -> memref<64x128xf32, #tpu.memory_space<vmem_shared>>
      %dma_wait3A_109 = arith.constant 0 : i32
      %dma_wait3A_110 = tpu.memref_slice %arg16[%add3A_19, %dma_wait3A_109] : memref<10064x128xf32, #tpu.memory_space<vmem_shared>> -> memref<64x128xf32, #tpu.memory_space<vmem_shared>>
      tpu.wait_dma2 semaphore(%run_scoped3A : memref<!tpu.dma_semaphore, #tpu.memory_space<semaphore_mem>>) src(%arg10 : memref<64x128xf32, #tpu.memory_space<vmem>>) dst(%dma_wait3A_110 : memref<64x128xf32, #tpu.memory_space<vmem_shared>>)
      tpu.yield
    }) : () -> ()
    %add3A_20 = arith.constant 384 : i32
    %add3A_21 = arith.addi %mul3A_7, %add3A_20 : i32
    "tpu.region"() ({
      %run_scoped3A = tpu.sem_alloc : memref<!tpu.dma_semaphore, #tpu.memory_space<semaphore_mem>>
      %dma_start3A_103 = arith.constant 0 : i32
      %dma_start3A_104 = tpu.memref_slice %arg16[%add3A_21, %dma_start3A_103] : memref<10064x128xf32, #tpu.memory_space<vmem_shared>> -> memref<64x128xf32, #tpu.memory_space<vmem_shared>>
      %dma_start3A_105 = arith.constant 0 : i32
      %dma_start3A_106 = tpu.memref_slice %arg16[%add3A_21, %dma_start3A_105] : memref<10064x128xf32, #tpu.memory_space<vmem_shared>> -> memref<64x128xf32, #tpu.memory_space<vmem_shared>>
      tpu.enqueue_dma source(%arg10 : memref<64x128xf32, #tpu.memory_space<vmem>>) target(%dma_start3A_106 : memref<64x128xf32, #tpu.memory_space<vmem_shared>>) target_semaphore(%run_scoped3A : memref<!tpu.dma_semaphore, #tpu.memory_space<semaphore_mem>>)
      %dma_wait3A_107 = arith.constant 0 : i32
      %dma_wait3A_108 = tpu.memref_slice %arg16[%add3A_21, %dma_wait3A_107] : memref<10064x128xf32, #tpu.memory_space<vmem_shared>> -> memref<64x128xf32, #tpu.memory_space<vmem_shared>>
      %dma_wait3A_109 = arith.constant 0 : i32
      %dma_wait3A_110 = tpu.memref_slice %arg16[%add3A_21, %dma_wait3A_109] : memref<10064x128xf32, #tpu.memory_space<vmem_shared>> -> memref<64x128xf32, #tpu.memory_space<vmem_shared>>
      tpu.wait_dma2 semaphore(%run_scoped3A : memref<!tpu.dma_semaphore, #tpu.memory_space<semaphore_mem>>) src(%arg10 : memref<64x128xf32, #tpu.memory_space<vmem>>) dst(%dma_wait3A_110 : memref<64x128xf32, #tpu.memory_space<vmem_shared>>)
      tpu.yield
    }) : () -> ()
    %add3A_22 = arith.constant 448 : i32
    %add3A_23 = arith.addi %mul3A_7, %add3A_22 : i32
    "tpu.region"() ({
      %run_scoped3A = tpu.sem_alloc : memref<!tpu.dma_semaphore, #tpu.memory_space<semaphore_mem>>
      %dma_start3A_103 = arith.constant 0 : i32
      %dma_start3A_104 = tpu.memref_slice %arg16[%add3A_23, %dma_start3A_103] : memref<10064x128xf32, #tpu.memory_space<vmem_shared>> -> memref<64x128xf32, #tpu.memory_space<vmem_shared>>
      %dma_start3A_105 = arith.constant 0 : i32
      %dma_start3A_106 = tpu.memref_slice %arg16[%add3A_23, %dma_start3A_105] : memref<10064x128xf32, #tpu.memory_space<vmem_shared>> -> memref<64x128xf32, #tpu.memory_space<vmem_shared>>
      tpu.enqueue_dma source(%arg10 : memref<64x128xf32, #tpu.memory_space<vmem>>) target(%dma_start3A_106 : memref<64x128xf32, #tpu.memory_space<vmem_shared>>) target_semaphore(%run_scoped3A : memref<!tpu.dma_semaphore, #tpu.memory_space<semaphore_mem>>)
      %dma_wait3A_107 = arith.constant 0 : i32
      %dma_wait3A_108 = tpu.memref_slice %arg16[%add3A_23, %dma_wait3A_107] : memref<10064x128xf32, #tpu.memory_space<vmem_shared>> -> memref<64x128xf32, #tpu.memory_space<vmem_shared>>
      %dma_wait3A_109 = arith.constant 0 : i32
      %dma_wait3A_110 = tpu.memref_slice %arg16[%add3A_23, %dma_wait3A_109] : memref<10064x128xf32, #tpu.memory_space<vmem_shared>> -> memref<64x128xf32, #tpu.memory_space<vmem_shared>>
      tpu.wait_dma2 semaphore(%run_scoped3A : memref<!tpu.dma_semaphore, #tpu.memory_space<semaphore_mem>>) src(%arg10 : memref<64x128xf32, #tpu.memory_space<vmem>>) dst(%dma_wait3A_110 : memref<64x128xf32, #tpu.memory_space<vmem_shared>>)
      tpu.yield
    }) : () -> ()
    %add3A_24 = arith.constant 512 : i32
    %add3A_25 = arith.addi %mul3A_7, %add3A_24 : i32
    "tpu.region"() ({
      %run_scoped3A = tpu.sem_alloc : memref<!tpu.dma_semaphore, #tpu.memory_space<semaphore_mem>>
      %dma_start3A_103 = arith.constant 0 : i32
      %dma_start3A_104 = tpu.memref_slice %arg16[%add3A_25, %dma_start3A_103] : memref<10064x128xf32, #tpu.memory_space<vmem_shared>> -> memref<64x128xf32, #tpu.memory_space<vmem_shared>>
      %dma_start3A_105 = arith.constant 0 : i32
      %dma_start3A_106 = tpu.memref_slice %arg16[%add3A_25, %dma_start3A_105] : memref<10064x128xf32, #tpu.memory_space<vmem_shared>> -> memref<64x128xf32, #tpu.memory_space<vmem_shared>>
      tpu.enqueue_dma source(%arg10 : memref<64x128xf32, #tpu.memory_space<vmem>>) target(%dma_start3A_106 : memref<64x128xf32, #tpu.memory_space<vmem_shared>>) target_semaphore(%run_scoped3A : memref<!tpu.dma_semaphore, #tpu.memory_space<semaphore_mem>>)
      %dma_wait3A_107 = arith.constant 0 : i32
      %dma_wait3A_108 = tpu.memref_slice %arg16[%add3A_25, %dma_wait3A_107] : memref<10064x128xf32, #tpu.memory_space<vmem_shared>> -> memref<64x128xf32, #tpu.memory_space<vmem_shared>>
      %dma_wait3A_109 = arith.constant 0 : i32
      %dma_wait3A_110 = tpu.memref_slice %arg16[%add3A_25, %dma_wait3A_109] : memref<10064x128xf32, #tpu.memory_space<vmem_shared>> -> memref<64x128xf32, #tpu.memory_space<vmem_shared>>
      tpu.wait_dma2 semaphore(%run_scoped3A : memref<!tpu.dma_semaphore, #tpu.memory_space<semaphore_mem>>) src(%arg10 : memref<64x128xf32, #tpu.memory_space<vmem>>) dst(%dma_wait3A_110 : memref<64x128xf32, #tpu.memory_space<vmem_shared>>)
      tpu.yield
    }) : () -> ()
    %add3A_26 = arith.constant 576 : i32
    %add3A_27 = arith.addi %mul3A_7, %add3A_26 : i32
    "tpu.region"() ({
      %run_scoped3A = tpu.sem_alloc : memref<!tpu.dma_semaphore, #tpu.memory_space<semaphore_mem>>
      %dma_start3A_103 = arith.constant 0 : i32
      %dma_start3A_104 = arith.constant 0 : i32
      %dma_start3A_105 = tpu.memref_slice %arg10[%dma_start3A_103, %dma_start3A_104] : memref<64x128xf32, #tpu.memory_space<vmem>> -> memref<48x128xf32, #tpu.memory_space<vmem>>
      %dma_start3A_106 = arith.constant 0 : i32
      %dma_start3A_107 = tpu.memref_slice %arg16[%add3A_27, %dma_start3A_106] : memref<10064x128xf32, #tpu.memory_space<vmem_shared>> -> memref<48x128xf32, #tpu.memory_space<vmem_shared>>
      %dma_start3A_108 = arith.constant 0 : i32
      %dma_start3A_109 = tpu.memref_slice %arg16[%add3A_27, %dma_start3A_108] : memref<10064x128xf32, #tpu.memory_space<vmem_shared>> -> memref<48x128xf32, #tpu.memory_space<vmem_shared>>
      %dma_start3A_110 = arith.constant 0 : i32
      %dma_start3A_111 = arith.constant 0 : i32
      %dma_start3A_112 = tpu.memref_slice %arg10[%dma_start3A_110, %dma_start3A_111] : memref<64x128xf32, #tpu.memory_space<vmem>> -> memref<48x128xf32, #tpu.memory_space<vmem>>
      tpu.enqueue_dma source(%dma_start3A_112 : memref<48x128xf32, #tpu.memory_space<vmem>>) target(%dma_start3A_109 : memref<48x128xf32, #tpu.memory_space<vmem_shared>>) target_semaphore(%run_scoped3A : memref<!tpu.dma_semaphore, #tpu.memory_space<semaphore_mem>>)
      %dma_wait3A_113 = arith.constant 0 : i32
      %dma_wait3A_114 = arith.constant 0 : i32
      %dma_wait3A_115 = tpu.memref_slice %arg10[%dma_wait3A_113, %dma_wait3A_114] : memref<64x128xf32, #tpu.memory_space<vmem>> -> memref<48x128xf32, #tpu.memory_space<vmem>>
      %dma_wait3A_116 = arith.constant 0 : i32
      %dma_wait3A_117 = tpu.memref_slice %arg16[%add3A_27, %dma_wait3A_116] : memref<10064x128xf32, #tpu.memory_space<vmem_shared>> -> memref<48x128xf32, #tpu.memory_space<vmem_shared>>
      %dma_wait3A_118 = arith.constant 0 : i32
      %dma_wait3A_119 = tpu.memref_slice %arg16[%add3A_27, %dma_wait3A_118] : memref<10064x128xf32, #tpu.memory_space<vmem_shared>> -> memref<48x128xf32, #tpu.memory_space<vmem_shared>>
      %dma_wait3A_120 = arith.constant 0 : i32
      %dma_wait3A_121 = arith.constant 0 : i32
      %dma_wait3A_122 = tpu.memref_slice %arg10[%dma_wait3A_120, %dma_wait3A_121] : memref<64x128xf32, #tpu.memory_space<vmem>> -> memref<48x128xf32, #tpu.memory_space<vmem>>
      tpu.wait_dma2 semaphore(%run_scoped3A : memref<!tpu.dma_semaphore, #tpu.memory_space<semaphore_mem>>) src(%dma_wait3A_122 : memref<48x128xf32, #tpu.memory_space<vmem>>) dst(%dma_wait3A_119 : memref<48x128xf32, #tpu.memory_space<vmem_shared>>)
      tpu.yield
    }) : () -> ()
    %eq3A = arith.constant 15 : i32
    %eq3A_28 = arith.cmpi eq, %arg1, %eq3A : i32
    %convert_element_type3A = arith.extui %eq3A_28 : i1 to i32
    %cond3A = arith.constant 0 : i32
    %cond3A_29 = arith.cmpi ne, %convert_element_type3A, %cond3A : i32
    scf.if %cond3A_29 {
      "tpu.region"() ({
        %run_scoped3A = tpu.sem_alloc : memref<!tpu.dma_semaphore, #tpu.memory_space<semaphore_mem>>
        %dma_start3A_103 = arith.constant 0 : i32
        %dma_start3A_104 = arith.constant 0 : i32
        %dma_start3A_105 = tpu.memref_slice %arg10[%dma_start3A_103, %dma_start3A_104] : memref<64x128xf32, #tpu.memory_space<vmem>> -> memref<16x128xf32, #tpu.memory_space<vmem>>
        %dma_start3A_106 = arith.constant 9984 : i32
        %dma_start3A_107 = arith.constant 0 : i32
        %dma_start3A_108 = tpu.memref_slice %arg16[%dma_start3A_106, %dma_start3A_107] : memref<10064x128xf32, #tpu.memory_space<vmem_shared>> -> memref<16x128xf32, #tpu.memory_space<vmem_shared>>
        %dma_start3A_109 = arith.constant 9984 : i32
        %dma_start3A_110 = arith.constant 0 : i32
        %dma_start3A_111 = tpu.memref_slice %arg16[%dma_start3A_109, %dma_start3A_110] : memref<10064x128xf32, #tpu.memory_space<vmem_shared>> -> memref<16x128xf32, #tpu.memory_space<vmem_shared>>
        %dma_start3A_112 = arith.constant 0 : i32
        %dma_start3A_113 = arith.constant 0 : i32
        %dma_start3A_114 = tpu.memref_slice %arg10[%dma_start3A_112, %dma_start3A_113] : memref<64x128xf32, #tpu.memory_space<vmem>> -> memref<16x128xf32, #tpu.memory_space<vmem>>
        tpu.enqueue_dma source(%dma_start3A_114 : memref<16x128xf32, #tpu.memory_space<vmem>>) target(%dma_start3A_111 : memref<16x128xf32, #tpu.memory_space<vmem_shared>>) target_semaphore(%run_scoped3A : memref<!tpu.dma_semaphore, #tpu.memory_space<semaphore_mem>>)
        %dma_wait3A_115 = arith.constant 0 : i32
        %dma_wait3A_116 = arith.constant 0 : i32
        %dma_wait3A_117 = tpu.memref_slice %arg10[%dma_wait3A_115, %dma_wait3A_116] : memref<64x128xf32, #tpu.memory_space<vmem>> -> memref<16x128xf32, #tpu.memory_space<vmem>>
        %dma_wait3A_118 = arith.constant 9984 : i32
        %dma_wait3A_119 = arith.constant 0 : i32
        %dma_wait3A_120 = tpu.memref_slice %arg16[%dma_wait3A_118, %dma_wait3A_119] : memref<10064x128xf32, #tpu.memory_space<vmem_shared>> -> memref<16x128xf32, #tpu.memory_space<vmem_shared>>
        %dma_wait3A_121 = arith.constant 9984 : i32
        %dma_wait3A_122 = arith.constant 0 : i32
        %dma_wait3A_123 = tpu.memref_slice %arg16[%dma_wait3A_121, %dma_wait3A_122] : memref<10064x128xf32, #tpu.memory_space<vmem_shared>> -> memref<16x128xf32, #tpu.memory_space<vmem_shared>>
        %dma_wait3A_124 = arith.constant 0 : i32
        %dma_wait3A_125 = arith.constant 0 : i32
        %dma_wait3A_126 = tpu.memref_slice %arg10[%dma_wait3A_124, %dma_wait3A_125] : memref<64x128xf32, #tpu.memory_space<vmem>> -> memref<16x128xf32, #tpu.memory_space<vmem>>
        tpu.wait_dma2 semaphore(%run_scoped3A : memref<!tpu.dma_semaphore, #tpu.memory_space<semaphore_mem>>) src(%dma_wait3A_126 : memref<16x128xf32, #tpu.memory_space<vmem>>) dst(%dma_wait3A_123 : memref<16x128xf32, #tpu.memory_space<vmem_shared>>)
        tpu.yield
      }) : () -> ()
    } else {
    }
    %barrier3A = arith.constant 0 : index
    tpu.barrier barrier_id(%barrier3A)
    %mul3A_30 = arith.constant 16 : i32
    %mul3A_31 = arith.muli %add3A, %mul3A_30 : i32
    %min3A = arith.constant 0 : i32
    %min3A_32 = arith.constant 159 : i32
    %min3A_33 = arith.minsi %min3A, %min3A_32 : i32
    %mul3A_34 = arith.constant 32 : i32
    %mul3A_35 = arith.muli %min3A_33, %mul3A_34 : i32
    %add3A_36 = arith.addi %mul3A_35, %add3A : i32
    "tpu.region"() ({
      %run_scoped3A = tpu.sem_alloc : memref<!tpu.dma_semaphore, #tpu.memory_space<semaphore_mem>>
      %dma_start3A_103 = arith.constant 0 : i32
      %dma_start3A_104 = arith.constant 0 : i32
      %dma_start3A_105 = tpu.memref_slice %arg2[%add3A_36, %dma_start3A_103, %dma_start3A_104] : memref<5120x4x64xi32, #tpu.memory_space<hbm>> -> memref<1x4x64xi32, #tpu.memory_space<hbm>>
      %dma_start3A_106 = tpu.memref_squeeze %dma_start3A_105 : memref<1x4x64xi32, #tpu.memory_space<hbm>> -> memref<4x64xi32, #tpu.memory_space<hbm>>
      %dma_start3A_107 = arith.constant 0 : i32
      %dma_start3A_108 = arith.constant 0 : i32
      %dma_start3A_109 = tpu.memref_slice %arg2[%add3A_36, %dma_start3A_107, %dma_start3A_108] : memref<5120x4x64xi32, #tpu.memory_space<hbm>> -> memref<1x4x64xi32, #tpu.memory_space<hbm>>
      %dma_start3A_110 = tpu.memref_squeeze %dma_start3A_109 : memref<1x4x64xi32, #tpu.memory_space<hbm>> -> memref<4x64xi32, #tpu.memory_space<hbm>>
      tpu.enqueue_dma source(%dma_start3A_110 : memref<4x64xi32, #tpu.memory_space<hbm>>) target(%arg6 : memref<4x64xi32, #tpu.memory_space<vmem>>) target_semaphore(%run_scoped3A : memref<!tpu.dma_semaphore, #tpu.memory_space<semaphore_mem>>)
      %dma_wait3A_111 = arith.constant 0 : i32
      %dma_wait3A_112 = arith.constant 0 : i32
      %dma_wait3A_113 = tpu.memref_slice %arg2[%add3A_36, %dma_wait3A_111, %dma_wait3A_112] : memref<5120x4x64xi32, #tpu.memory_space<hbm>> -> memref<1x4x64xi32, #tpu.memory_space<hbm>>
      %dma_wait3A_114 = tpu.memref_squeeze %dma_wait3A_113 : memref<1x4x64xi32, #tpu.memory_space<hbm>> -> memref<4x64xi32, #tpu.memory_space<hbm>>
      %dma_wait3A_115 = arith.constant 0 : i32
      %dma_wait3A_116 = arith.constant 0 : i32
      %dma_wait3A_117 = tpu.memref_slice %arg2[%add3A_36, %dma_wait3A_115, %dma_wait3A_116] : memref<5120x4x64xi32, #tpu.memory_space<hbm>> -> memref<1x4x64xi32, #tpu.memory_space<hbm>>
      %dma_wait3A_118 = tpu.memref_squeeze %dma_wait3A_117 : memref<1x4x64xi32, #tpu.memory_space<hbm>> -> memref<4x64xi32, #tpu.memory_space<hbm>>
      tpu.wait_dma2 semaphore(%run_scoped3A : memref<!tpu.dma_semaphore, #tpu.memory_space<semaphore_mem>>) src(%dma_wait3A_118 : memref<4x64xi32, #tpu.memory_space<hbm>>) dst(%arg6 : memref<4x64xi32, #tpu.memory_space<vmem>>)
      tpu.yield
    }) : () -> ()
    %scan3A_37 = arith.constant 0 : i32
    %scan3A_38 = arith.constant 4 : i32
    %scan3A_39 = arith.addi %scan3A_37, %scan3A_38 : i32
    %scan3A_40 = arith.constant 1 : i32
    scf.for %scan3A_103 = %scan3A_37 to %scan3A_39 step %scan3A_40  : i32 {
      %mul3A_104 = arith.constant 1 : i32
      %mul3A_105 = arith.muli %scan3A_103, %mul3A_104 : i32
      %add3A_106 = arith.constant 0 : i32
      %add3A_107 = arith.addi %add3A_106, %mul3A_105 : i32
      %mul3A_108 = arith.constant 16 : i32
      %mul3A_109 = arith.muli %add3A_107, %mul3A_108 : i32
      %get3A = arith.constant 2 : i32
      %get3A_110 = arith.index_cast %get3A : i32 to index
      %get3A_111 = arith.index_cast %mul3A_109 : i32 to index
      %get3A_112 = tpu.vector_load %arg6[%get3A_110, %get3A_111] {strides = array<i32>} : memref<4x64xi32, #tpu.memory_space<vmem>>, vector<1x16xi32>,
      %get3A_113 = vector.shape_cast %get3A_112 : vector<1x16xi32> to vector<16xi32>
      %mul3A_114 = arith.constant 3 : i32
      %mul3A_115 = vector.broadcast %mul3A_114 : i32 to vector<16xi32>
      %mul3A_116 = arith.muli %get3A_113, %mul3A_115 : vector<16xi32>
      %get3A_117 = arith.constant 3 : i32
      %get3A_118 = arith.index_cast %get3A_117 : i32 to index
      %get3A_119 = arith.index_cast %mul3A_109 : i32 to index
      %get3A_120 = tpu.vector_load %arg6[%get3A_118, %get3A_119] {strides = array<i32>} : memref<4x64xi32, #tpu.memory_space<vmem>>, vector<1x16xi32>,
      %get3A_121 = vector.shape_cast %get3A_120 : vector<1x16xi32> to vector<16xi32>
      %add3A_122 = arith.addi %mul3A_116, %get3A_121 : vector<16xi32>
      %add3A_123 = vector.broadcast %mul3A_31 : i32 to vector<16xi32>
      %add3A_124 = arith.addi %add3A_122, %add3A_123 : vector<16xi32>
      %swap3A = arith.index_cast %mul3A_109 : i32 to index
      %swap3A_125 = tpu.vector_load %arg14[%swap3A] {strides = array<i32>} : memref<64xi32, #tpu.memory_space<vmem>>, vector<16xi32>,
      %swap3A_126 = vector.shape_cast %swap3A_125 : vector<16xi32> to vector<16xi32>
      %swap3A_127 = vector.shape_cast %add3A_124 : vector<16xi32> to vector<16xi32>
      tpu.vector_store %arg14[%swap3A], %swap3A_127 {strides = array<i32>} : memref<64xi32, #tpu.memory_space<vmem>>, vector<16xi32>,
    }
    %scan3A_41 = arith.constant 4 : i32
    %dma_start3A = arith.constant 1 : i32
    %dma_start3A_42 = arith.constant 0 : i32
    %dma_start3A_43 = tpu.memref_slice %arg6[%dma_start3A, %dma_start3A_42] : memref<4x64xi32, #tpu.memory_space<vmem>> -> memref<1x64xi32, #tpu.memory_space<vmem>>
    %dma_start3A_44 = tpu.memref_squeeze %dma_start3A_43 : memref<1x64xi32, #tpu.memory_space<vmem>> -> memref<64xi32, #tpu.memory_space<vmem>>
    %dma_start3A_45 = arith.constant 0 : i32
    %dma_start3A_46 = arith.constant 0 : i32
    %dma_start3A_47 = tpu.memref_slice %arg3[%dma_start3A_45, %dma_start3A_46] : memref<10000x128xf32, #tpu.memory_space<hbm>> -> memref<10000x128xf32, #tpu.memory_space<hbm>>
    tpu.enqueue_indirect_dma source(%dma_start3A_47 : memref<10000x128xf32, #tpu.memory_space<hbm>>) target(%arg10 : memref<64x128xf32, #tpu.memory_space<vmem>>) offsets(%dma_start3A_44 : memref<64xi32, #tpu.memory_space<vmem>>) semaphore(%arg19 : memref<!tpu.dma_semaphore, #tpu.memory_space<semaphore_mem>>)
    %dma_start3A_48 = arith.constant 0 : i32
    %dma_start3A_49 = arith.constant 0 : i32
    %dma_start3A_50 = tpu.memref_slice %arg4[%dma_start3A_48, %dma_start3A_49] : memref<512x128xf32, #tpu.memory_space<hbm>> -> memref<512x128xf32, #tpu.memory_space<hbm>>
    tpu.enqueue_indirect_dma source(%dma_start3A_50 : memref<512x128xf32, #tpu.memory_space<hbm>>) target(%arg12 : memref<64x128xf32, #tpu.memory_space<vmem>>) offsets(%arg14 : memref<64xi32, #tpu.memory_space<vmem>>) semaphore(%arg19 : memref<!tpu.dma_semaphore, #tpu.memory_space<semaphore_mem>>)
    %min3A_51 = arith.constant 1 : i32
    %min3A_52 = arith.constant 159 : i32
    %min3A_53 = arith.minsi %min3A_51, %min3A_52 : i32
    %mul3A_54 = arith.constant 32 : i32
    %mul3A_55 = arith.muli %min3A_53, %mul3A_54 : i32
    %add3A_56 = arith.addi %mul3A_55, %add3A : i32
    %dma_start3A_57 = arith.constant 0 : i32
    %dma_start3A_58 = arith.constant 0 : i32
    %dma_start3A_59 = tpu.memref_slice %arg2[%add3A_56, %dma_start3A_57, %dma_start3A_58] : memref<5120x4x64xi32, #tpu.memory_space<hbm>> -> memref<1x4x64xi32, #tpu.memory_space<hbm>>
    %dma_start3A_60 = tpu.memref_squeeze %dma_start3A_59 : memref<1x4x64xi32, #tpu.memory_space<hbm>> -> memref<4x64xi32, #tpu.memory_space<hbm>>
    %dma_start3A_61 = arith.constant 0 : i32
    %dma_start3A_62 = arith.constant 0 : i32
    %dma_start3A_63 = tpu.memref_slice %arg2[%add3A_56, %dma_start3A_61, %dma_start3A_62] : memref<5120x4x64xi32, #tpu.memory_space<hbm>> -> memref<1x4x64xi32, #tpu.memory_space<hbm>>
    %dma_start3A_64 = tpu.memref_squeeze %dma_start3A_63 : memref<1x4x64xi32, #tpu.memory_space<hbm>> -> memref<4x64xi32, #tpu.memory_space<hbm>>
    tpu.enqueue_dma source(%dma_start3A_64 : memref<4x64xi32, #tpu.memory_space<hbm>>) target(%arg7 : memref<4x64xi32, #tpu.memory_space<vmem>>) target_semaphore(%arg18 : memref<!tpu.dma_semaphore, #tpu.memory_space<semaphore_mem>>)
    %scan3A_65 = arith.constant 0 : i32
    %scan3A_66 = arith.constant 40 : i32
    %scan3A_67 = arith.addi %scan3A_65, %scan3A_66 : i32
    %scan3A_68 = arith.constant 1 : i32
    scf.for %scan3A_103 = %scan3A_65 to %scan3A_67 step %scan3A_68  : i32 {
      %mul3A_104 = arith.constant 1 : i32
      %mul3A_105 = arith.muli %scan3A_103, %mul3A_104 : i32
      %add3A_106 = arith.constant 0 : i32
      %add3A_107 = arith.addi %add3A_106, %mul3A_105 : i32
      %mul3A_108 = arith.constant 4 : i32
      %mul3A_109 = arith.muli %mul3A_108, %add3A_107 : i32
      %add3A_110 = arith.constant 0 : i32
      %add3A_111 = arith.addi %mul3A_109, %add3A_110 : i32
      %dma_wait3A_112 = arith.constant 0 : i32
      %dma_wait3A_113 = arith.constant 0 : i32
      %dma_wait3A_114 = arith.constant 0 : i32
      %dma_wait3A_115 = tpu.memref_slice %arg2[%dma_wait3A_112, %dma_wait3A_113, %dma_wait3A_114] : memref<5120x4x64xi32, #tpu.memory_space<hbm>> -> memref<1x4x64xi32, #tpu.memory_space<hbm>>
      %dma_wait3A_116 = tpu.memref_squeeze %dma_wait3A_115 : memref<1x4x64xi32, #tpu.memory_space<hbm>> -> memref<4x64xi32, #tpu.memory_space<hbm>>
      %dma_wait3A_117 = arith.constant 0 : i32
      %dma_wait3A_118 = arith.constant 0 : i32
      %dma_wait3A_119 = tpu.memref_slice %arg2[%dma_wait3A_112, %dma_wait3A_117, %dma_wait3A_118] : memref<5120x4x64xi32, #tpu.memory_space<hbm>> -> memref<1x4x64xi32, #tpu.memory_space<hbm>>
      %dma_wait3A_120 = tpu.memref_squeeze %dma_wait3A_119 : memref<1x4x64xi32, #tpu.memory_space<hbm>> -> memref<4x64xi32, #tpu.memory_space<hbm>>
      tpu.wait_dma2 semaphore(%arg18 : memref<!tpu.dma_semaphore, #tpu.memory_space<semaphore_mem>>) src(%dma_wait3A_120 : memref<4x64xi32, #tpu.memory_space<hbm>>) dst(%arg6 : memref<4x64xi32, #tpu.memory_space<vmem>>)
      %scan3A_121 = arith.constant 0 : i32
      %scan3A_122 = arith.constant 4 : i32
      %scan3A_123 = arith.addi %scan3A_121, %scan3A_122 : i32
      %scan3A_124 = arith.constant 1 : i32
      scf.for %scan3A_401 = %scan3A_121 to %scan3A_123 step %scan3A_124  : i32 {
        %mul3A_402 = arith.constant 1 : i32
        %mul3A_403 = arith.muli %scan3A_401, %mul3A_402 : i32
        %add3A_404 = arith.constant 0 : i32
        %add3A_405 = arith.addi %add3A_404, %mul3A_403 : i32
        %mul3A_406 = arith.constant 16 : i32
        %mul3A_407 = arith.muli %add3A_405, %mul3A_406 : i32
        %get3A = arith.constant 2 : i32
        %get3A_408 = arith.index_cast %get3A : i32 to index
        %get3A_409 = arith.index_cast %mul3A_407 : i32 to index
        %get3A_410 = tpu.vector_load %arg7[%get3A_408, %get3A_409] {strides = array<i32>} : memref<4x64xi32, #tpu.memory_space<vmem>>, vector<1x16xi32>,
        %get3A_411 = vector.shape_cast %get3A_410 : vector<1x16xi32> to vector<16xi32>
        %mul3A_412 = arith.constant 3 : i32
        %mul3A_413 = vector.broadcast %mul3A_412 : i32 to vector<16xi32>
        %mul3A_414 = arith.muli %get3A_411, %mul3A_413 : vector<16xi32>
        %get3A_415 = arith.constant 3 : i32
        %get3A_416 = arith.index_cast %get3A_415 : i32 to index
        %get3A_417 = arith.index_cast %mul3A_407 : i32 to index
        %get3A_418 = tpu.vector_load %arg7[%get3A_416, %get3A_417] {strides = array<i32>} : memref<4x64xi32, #tpu.memory_space<vmem>>, vector<1x16xi32>,
        %get3A_419 = vector.shape_cast %get3A_418 : vector<1x16xi32> to vector<16xi32>
        %add3A_420 = arith.addi %mul3A_414, %get3A_419 : vector<16xi32>
        %add3A_421 = vector.broadcast %mul3A_31 : i32 to vector<16xi32>
        %add3A_422 = arith.addi %add3A_420, %add3A_421 : vector<16xi32>
        %swap3A = arith.index_cast %mul3A_407 : i32 to index
        %swap3A_423 = tpu.vector_load %arg15[%swap3A] {strides = array<i32>} : memref<64xi32, #tpu.memory_space<vmem>>, vector<16xi32>,
        %swap3A_424 = vector.shape_cast %swap3A_423 : vector<16xi32> to vector<16xi32>
        %swap3A_425 = vector.shape_cast %add3A_422 : vector<16xi32> to vector<16xi32>
        tpu.vector_store %arg15[%swap3A], %swap3A_425 {strides = array<i32>} : memref<64xi32, #tpu.memory_space<vmem>>, vector<16xi32>,
      }
      %scan3A_125 = arith.constant 4 : i32
      %gt3A = arith.constant 0 : i32
      %gt3A_126 = arith.cmpi sgt, %add3A_107, %gt3A : i32
      %convert_element_type3A_127 = arith.extui %gt3A_126 : i1 to i32
      %cond3A_128 = arith.constant 0 : i32
      %cond3A_129 = arith.cmpi ne, %convert_element_type3A_127, %cond3A_128 : i32
      scf.if %cond3A_129 {
        %dma_wait3A_401 = arith.constant 0 : i32
        %dma_wait3A_402 = arith.constant 0 : i32
        %dma_wait3A_403 = tpu.memref_slice %arg9[%dma_wait3A_401, %dma_wait3A_402] : memref<4x64xi32, #tpu.memory_space<vmem>> -> memref<1x64xi32, #tpu.memory_space<vmem>>
        %dma_wait3A_404 = tpu.memref_squeeze %dma_wait3A_403 : memref<1x64xi32, #tpu.memory_space<vmem>> -> memref<64xi32, #tpu.memory_space<vmem>>
        %dma_wait3A_405 = arith.constant 0 : i32
        %dma_wait3A_406 = arith.constant 0 : i32
        %dma_wait3A_407 = tpu.memref_slice %arg16[%dma_wait3A_405, %dma_wait3A_406] : memref<10064x128xf32, #tpu.memory_space<vmem_shared>> -> memref<10064x128xf32, #tpu.memory_space<vmem_shared>>
        tpu.wait_indirect_dma semaphore(%arg22 : memref<!tpu.dma_semaphore, #tpu.memory_space<semaphore_mem>>) src(%arg11 : memref<64x128xf32, #tpu.memory_space<vmem>>) dst(%dma_wait3A_407 : memref<10064x128xf32, #tpu.memory_space<vmem_shared>>)
      } else {
      }
      %dma_start3A_130 = arith.constant 1 : i32
      %dma_start3A_131 = arith.constant 0 : i32
      %dma_start3A_132 = tpu.memref_slice %arg7[%dma_start3A_130, %dma_start3A_131] : memref<4x64xi32, #tpu.memory_space<vmem>> -> memref<1x64xi32, #tpu.memory_space<vmem>>
      %dma_start3A_133 = tpu.memref_squeeze %dma_start3A_132 : memref<1x64xi32, #tpu.memory_space<vmem>> -> memref<64xi32, #tpu.memory_space<vmem>>
      %dma_start3A_134 = arith.constant 0 : i32
      %dma_start3A_135 = arith.constant 0 : i32
      %dma_start3A_136 = tpu.memref_slice %arg3[%dma_start3A_134, %dma_start3A_135] : memref<10000x128xf32, #tpu.memory_space<hbm>> -> memref<10000x128xf32, #tpu.memory_space<hbm>>
      tpu.enqueue_indirect_dma source(%dma_start3A_136 : memref<10000x128xf32, #tpu.memory_space<hbm>>) target(%arg11 : memref<64x128xf32, #tpu.memory_space<vmem>>) offsets(%dma_start3A_133 : memref<64xi32, #tpu.memory_space<vmem>>) semaphore(%arg20 : memref<!tpu.dma_semaphore, #tpu.memory_space<semaphore_mem>>)
      %dma_start3A_137 = arith.constant 0 : i32
      %dma_start3A_138 = arith.constant 0 : i32
      %dma_start3A_139 = tpu.memref_slice %arg4[%dma_start3A_137, %dma_start3A_138] : memref<512x128xf32, #tpu.memory_space<hbm>> -> memref<512x128xf32, #tpu.memory_space<hbm>>
      tpu.enqueue_indirect_dma source(%dma_start3A_139 : memref<512x128xf32, #tpu.memory_space<hbm>>) target(%arg13 : memref<64x128xf32, #tpu.memory_space<vmem>>) offsets(%arg15 : memref<64xi32, #tpu.memory_space<vmem>>) semaphore(%arg20 : memref<!tpu.dma_semaphore, #tpu.memory_space<semaphore_mem>>)
      %add3A_140 = arith.constant 2 : i32
      %add3A_141 = arith.addi %add3A_111, %add3A_140 : i32
      %min3A_142 = arith.constant 159 : i32
      %min3A_143 = arith.minsi %add3A_141, %min3A_142 : i32
      %mul3A_144 = arith.constant 32 : i32
      %mul3A_145 = arith.muli %min3A_143, %mul3A_144 : i32
      %add3A_146 = arith.addi %mul3A_145, %add3A : i32
      %dma_start3A_147 = arith.constant 0 : i32
      %dma_start3A_148 = arith.constant 0 : i32
      %dma_start3A_149 = tpu.memref_slice %arg2[%add3A_146, %dma_start3A_147, %dma_start3A_148] : memref<5120x4x64xi32, #tpu.memory_space<hbm>> -> memref<1x4x64xi32, #tpu.memory_space<hbm>>
      %dma_start3A_150 = tpu.memref_squeeze %dma_start3A_149 : memref<1x4x64xi32, #tpu.memory_space<hbm>> -> memref<4x64xi32, #tpu.memory_space<hbm>>
      %dma_start3A_151 = arith.constant 0 : i32
      %dma_start3A_152 = arith.constant 0 : i32
      %dma_start3A_153 = tpu.memref_slice %arg2[%add3A_146, %dma_start3A_151, %dma_start3A_152] : memref<5120x4x64xi32, #tpu.memory_space<hbm>> -> memref<1x4x64xi32, #tpu.memory_space<hbm>>
      %dma_start3A_154 = tpu.memref_squeeze %dma_start3A_153 : memref<1x4x64xi32, #tpu.memory_space<hbm>> -> memref<4x64xi32, #tpu.memory_space<hbm>>
      tpu.enqueue_dma source(%dma_start3A_154 : memref<4x64xi32, #tpu.memory_space<hbm>>) target(%arg8 : memref<4x64xi32, #tpu.memory_space<vmem>>) target_semaphore(%arg17 : memref<!tpu.dma_semaphore, #tpu.memory_space<semaphore_mem>>)
      %dma_wait3A_155 = arith.constant 0 : i32
      %dma_wait3A_156 = arith.constant 0 : i32
      %dma_wait3A_157 = tpu.memref_slice %arg3[%dma_wait3A_155, %dma_wait3A_156] : memref<10000x128xf32, #tpu.memory_space<hbm>> -> memref<64x128xf32, #tpu.memory_space<hbm>>
      %dma_wait3A_158 = arith.constant 0 : i32
      %dma_wait3A_159 = arith.constant 0 : i32
      %dma_wait3A_160 = tpu.memref_slice %arg3[%dma_wait3A_158, %dma_wait3A_159] : memref<10000x128xf32, #tpu.memory_space<hbm>> -> memref<64x128xf32, #tpu.memory_space<hbm>>
      tpu.wait_dma2 semaphore(%arg19 : memref<!tpu.dma_semaphore, #tpu.memory_space<semaphore_mem>>) src(%dma_wait3A_160 : memref<64x128xf32, #tpu.memory_space<hbm>>) dst(%arg10 : memref<64x128xf32, #tpu.memory_space<vmem>>)
      %dma_wait3A_161 = arith.constant 0 : i32
      %dma_wait3A_162 = arith.constant 0 : i32
      %dma_wait3A_163 = tpu.memref_slice %arg3[%dma_wait3A_161, %dma_wait3A_162] : memref<10000x128xf32, #tpu.memory_space<hbm>> -> memref<64x128xf32, #tpu.memory_space<hbm>>
      %dma_wait3A_164 = arith.constant 0 : i32
      %dma_wait3A_165 = arith.constant 0 : i32
      %dma_wait3A_166 = tpu.memref_slice %arg3[%dma_wait3A_164, %dma_wait3A_165] : memref<10000x128xf32, #tpu.memory_space<hbm>> -> memref<64x128xf32, #tpu.memory_space<hbm>>
      tpu.wait_dma2 semaphore(%arg19 : memref<!tpu.dma_semaphore, #tpu.memory_space<semaphore_mem>>) src(%dma_wait3A_166 : memref<64x128xf32, #tpu.memory_space<hbm>>) dst(%arg12 : memref<64x128xf32, #tpu.memory_space<vmem>>)
      %scan3A_167 = arith.constant 0 : i32
      %scan3A_168 = arith.constant 64 : i32
      %scan3A_169 = arith.addi %scan3A_167, %scan3A_168 : i32
      %scan3A_170 = arith.constant 1 : i32
      scf.for %scan3A_401 = %scan3A_167 to %scan3A_169 step %scan3A_170  : i32 {
        %mul3A_402 = arith.constant 1 : i32
        %mul3A_403 = arith.muli %scan3A_401, %mul3A_402 : i32
        %add3A_404 = arith.constant 0 : i32
        %add3A_405 = arith.addi %add3A_404, %mul3A_403 : i32
        %get3A = arith.index_cast %add3A_405 : i32 to index
        %get3A_406 = arith.constant 0 : index
        %get3A_407 = tpu.vector_load %arg10[%get3A, %get3A_406] {strides = array<i32>} : memref<64x128xf32, #tpu.memory_space<vmem>>, vector<1x16xf32>,
        %get3A_408 = vector.shape_cast %get3A_407 : vector<1x16xf32> to vector<16xf32>
        %get3A_409 = arith.index_cast %add3A_405 : i32 to index
        %get3A_410 = arith.constant 0 : index
        %get3A_411 = tpu.vector_load %arg12[%get3A_409, %get3A_410] {strides = array<i32>} : memref<64x128xf32, #tpu.memory_space<vmem>>, vector<1x16xf32>,
        %get3A_412 = vector.shape_cast %get3A_411 : vector<1x16xf32> to vector<16xf32>
        %add3A_413 = arith.addf %get3A_408, %get3A_412 : vector<16xf32>
        %swap3A = arith.index_cast %add3A_405 : i32 to index
        %swap3A_414 = arith.constant 0 : index
        %swap3A_415 = tpu.vector_load %arg10[%swap3A, %swap3A_414] {strides = array<i32>} : memref<64x128xf32, #tpu.memory_space<vmem>>, vector<1x16xf32>,
        %swap3A_416 = vector.shape_cast %swap3A_415 : vector<1x16xf32> to vector<16xf32>
        %swap3A_417 = vector.shape_cast %add3A_413 : vector<16xf32> to vector<1x16xf32>
        tpu.vector_store %arg10[%swap3A, %swap3A_414], %swap3A_417 {strides = array<i32>} : memref<64x128xf32, #tpu.memory_space<vmem>>, vector<1x16xf32>,
        %get3A_418 = arith.index_cast %add3A_405 : i32 to index
        %get3A_419 = arith.constant 16 : index
        %get3A_420 = tpu.vector_load %arg10[%get3A_418, %get3A_419] {strides = array<i32>} : memref<64x128xf32, #tpu.memory_space<vmem>>, vector<1x16xf32>,
        %get3A_421 = vector.shape_cast %get3A_420 : vector<1x16xf32> to vector<16xf32>
        %get3A_422 = arith.index_cast %add3A_405 : i32 to index
        %get3A_423 = arith.constant 16 : index
        %get3A_424 = tpu.vector_load %arg12[%get3A_422, %get3A_423] {strides = array<i32>} : memref<64x128xf32, #tpu.memory_space<vmem>>, vector<1x16xf32>,
        %get3A_425 = vector.shape_cast %get3A_424 : vector<1x16xf32> to vector<16xf32>
        %add3A_426 = arith.addf %get3A_421, %get3A_425 : vector<16xf32>
        %swap3A_427 = arith.index_cast %add3A_405 : i32 to index
        %swap3A_428 = arith.constant 16 : index
        %swap3A_429 = tpu.vector_load %arg10[%swap3A_427, %swap3A_428] {strides = array<i32>} : memref<64x128xf32, #tpu.memory_space<vmem>>, vector<1x16xf32>,
        %swap3A_430 = vector.shape_cast %swap3A_429 : vector<1x16xf32> to vector<16xf32>
        %swap3A_431 = vector.shape_cast %add3A_426 : vector<16xf32> to vector<1x16xf32>
        tpu.vector_store %arg10[%swap3A_427, %swap3A_428], %swap3A_431 {strides = array<i32>} : memref<64x128xf32, #tpu.memory_space<vmem>>, vector<1x16xf32>,
        %get3A_432 = arith.index_cast %add3A_405 : i32 to index
        %get3A_433 = arith.constant 32 : index
        %get3A_434 = tpu.vector_load %arg10[%get3A_432, %get3A_433] {strides = array<i32>} : memref<64x128xf32, #tpu.memory_space<vmem>>, vector<1x16xf32>,
        %get3A_435 = vector.shape_cast %get3A_434 : vector<1x16xf32> to vector<16xf32>
        %get3A_436 = arith.index_cast %add3A_405 : i32 to index
        %get3A_437 = arith.constant 32 : index
        %get3A_438 = tpu.vector_load %arg12[%get3A_436, %get3A_437] {strides = array<i32>} : memref<64x128xf32, #tpu.memory_space<vmem>>, vector<1x16xf32>,
        %get3A_439 = vector.shape_cast %get3A_438 : vector<1x16xf32> to vector<16xf32>
        %add3A_440 = arith.addf %get3A_435, %get3A_439 : vector<16xf32>
        %swap3A_441 = arith.index_cast %add3A_405 : i32 to index
        %swap3A_442 = arith.constant 32 : index
        %swap3A_443 = tpu.vector_load %arg10[%swap3A_441, %swap3A_442] {strides = array<i32>} : memref<64x128xf32, #tpu.memory_space<vmem>>, vector<1x16xf32>,
        %swap3A_444 = vector.shape_cast %swap3A_443 : vector<1x16xf32> to vector<16xf32>
        %swap3A_445 = vector.shape_cast %add3A_440 : vector<16xf32> to vector<1x16xf32>
        tpu.vector_store %arg10[%swap3A_441, %swap3A_442], %swap3A_445 {strides = array<i32>} : memref<64x128xf32, #tpu.memory_space<vmem>>, vector<1x16xf32>,
        %get3A_446 = arith.index_cast %add3A_405 : i32 to index
        %get3A_447 = arith.constant 48 : index
        %get3A_448 = tpu.vector_load %arg10[%get3A_446, %get3A_447] {strides = array<i32>} : memref<64x128xf32, #tpu.memory_space<vmem>>, vector<1x16xf32>,
        %get3A_449 = vector.shape_cast %get3A_448 : vector<1x16xf32> to vector<16xf32>
        %get3A_450 = arith.index_cast %add3A_405 : i32 to index
        %get3A_451 = arith.constant 48 : index
        %get3A_452 = tpu.vector_load %arg12[%get3A_450, %get3A_451] {strides = array<i32>} : memref<64x128xf32, #tpu.memory_space<vmem>>, vector<1x16xf32>,
        %get3A_453 = vector.shape_cast %get3A_452 : vector<1x16xf32> to vector<16xf32>
        %add3A_454 = arith.addf %get3A_449, %get3A_453 : vector<16xf32>
        %swap3A_455 = arith.index_cast %add3A_405 : i32 to index
        %swap3A_456 = arith.constant 48 : index
        %swap3A_457 = tpu.vector_load %arg10[%swap3A_455, %swap3A_456] {strides = array<i32>} : memref<64x128xf32, #tpu.memory_space<vmem>>, vector<1x16xf32>,
        %swap3A_458 = vector.shape_cast %swap3A_457 : vector<1x16xf32> to vector<16xf32>
        %swap3A_459 = vector.shape_cast %add3A_454 : vector<16xf32> to vector<1x16xf32>
        tpu.vector_store %arg10[%swap3A_455, %swap3A_456], %swap3A_459 {strides = array<i32>} : memref<64x128xf32, #tpu.memory_space<vmem>>, vector<1x16xf32>,
        %get3A_460 = arith.index_cast %add3A_405 : i32 to index
        %get3A_461 = arith.constant 64 : index
        %get3A_462 = tpu.vector_load %arg10[%get3A_460, %get3A_461] {strides = array<i32>} : memref<64x128xf32, #tpu.memory_space<vmem>>, vector<1x16xf32>,
        %get3A_463 = vector.shape_cast %get3A_462 : vector<1x16xf32> to vector<16xf32>
        %get3A_464 = arith.index_cast %add3A_405 : i32 to index
        %get3A_465 = arith.constant 64 : index
        %get3A_466 = tpu.vector_load %arg12[%get3A_464, %get3A_465] {strides = array<i32>} : memref<64x128xf32, #tpu.memory_space<vmem>>, vector<1x16xf32>,
        %get3A_467 = vector.shape_cast %get3A_466 : vector<1x16xf32> to vector<16xf32>
        %add3A_468 = arith.addf %get3A_463, %get3A_467 : vector<16xf32>
        %swap3A_469 = arith.index_cast %add3A_405 : i32 to index
        %swap3A_470 = arith.constant 64 : index
        %swap3A_471 = tpu.vector_load %arg10[%swap3A_469, %swap3A_470] {strides = array<i32>} : memref<64x128xf32, #tpu.memory_space<vmem>>, vector<1x16xf32>,
        %swap3A_472 = vector.shape_cast %swap3A_471 : vector<1x16xf32> to vector<16xf32>
        %swap3A_473 = vector.shape_cast %add3A_468 : vector<16xf32> to vector<1x16xf32>
        tpu.vector_store %arg10[%swap3A_469, %swap3A_470], %swap3A_473 {strides = array<i32>} : memref<64x128xf32, #tpu.memory_space<vmem>>, vector<1x16xf32>,
        %get3A_474 = arith.index_cast %add3A_405 : i32 to index
        %get3A_475 = arith.constant 80 : index
        %get3A_476 = tpu.vector_load %arg10[%get3A_474, %get3A_475] {strides = array<i32>} : memref<64x128xf32, #tpu.memory_space<vmem>>, vector<1x16xf32>,
        %get3A_477 = vector.shape_cast %get3A_476 : vector<1x16xf32> to vector<16xf32>
        %get3A_478 = arith.index_cast %add3A_405 : i32 to index
        %get3A_479 = arith.constant 80 : index
        %get3A_480 = tpu.vector_load %arg12[%get3A_478, %get3A_479] {strides = array<i32>} : memref<64x128xf32, #tpu.memory_space<vmem>>, vector<1x16xf32>,
        %get3A_481 = vector.shape_cast %get3A_480 : vector<1x16xf32> to vector<16xf32>
        %add3A_482 = arith.addf %get3A_477, %get3A_481 : vector<16xf32>
        %swap3A_483 = arith.index_cast %add3A_405 : i32 to index
        %swap3A_484 = arith.constant 80 : index
        %swap3A_485 = tpu.vector_load %arg10[%swap3A_483, %swap3A_484] {strides = array<i32>} : memref<64x128xf32, #tpu.memory_space<vmem>>, vector<1x16xf32>,
        %swap3A_486 = vector.shape_cast %swap3A_485 : vector<1x16xf32> to vector<16xf32>
        %swap3A_487 = vector.shape_cast %add3A_482 : vector<16xf32> to vector<1x16xf32>
        tpu.vector_store %arg10[%swap3A_483, %swap3A_484], %swap3A_487 {strides = array<i32>} : memref<64x128xf32, #tpu.memory_space<vmem>>, vector<1x16xf32>,
        %get3A_488 = arith.index_cast %add3A_405 : i32 to index
        %get3A_489 = arith.constant 96 : index
        %get3A_490 = tpu.vector_load %arg10[%get3A_488, %get3A_489] {strides = array<i32>} : memref<64x128xf32, #tpu.memory_space<vmem>>, vector<1x16xf32>,
        %get3A_491 = vector.shape_cast %get3A_490 : vector<1x16xf32> to vector<16xf32>
        %get3A_492 = arith.index_cast %add3A_405 : i32 to index
        %get3A_493 = arith.constant 96 : index
        %get3A_494 = tpu.vector_load %arg12[%get3A_492, %get3A_493] {strides = array<i32>} : memref<64x128xf32, #tpu.memory_space<vmem>>, vector<1x16xf32>,
        %get3A_495 = vector.shape_cast %get3A_494 : vector<1x16xf32> to vector<16xf32>
        %add3A_496 = arith.addf %get3A_491, %get3A_495 : vector<16xf32>
        %swap3A_497 = arith.index_cast %add3A_405 : i32 to index
        %swap3A_498 = arith.constant 96 : index
        %swap3A_499 = tpu.vector_load %arg10[%swap3A_497, %swap3A_498] {strides = array<i32>} : memref<64x128xf32, #tpu.memory_space<vmem>>, vector<1x16xf32>,
        %swap3A_500 = vector.shape_cast %swap3A_499 : vector<1x16xf32> to vector<16xf32>
        %swap3A_501 = vector.shape_cast %add3A_496 : vector<16xf32> to vector<1x16xf32>
        tpu.vector_store %arg10[%swap3A_497, %swap3A_498], %swap3A_501 {strides = array<i32>} : memref<64x128xf32, #tpu.memory_space<vmem>>, vector<1x16xf32>,
        %get3A_502 = arith.index_cast %add3A_405 : i32 to index
        %get3A_503 = arith.constant 112 : index
        %get3A_504 = tpu.vector_load %arg10[%get3A_502, %get3A_503] {strides = array<i32>} : memref<64x128xf32, #tpu.memory_space<vmem>>, vector<1x16xf32>,
        %get3A_505 = vector.shape_cast %get3A_504 : vector<1x16xf32> to vector<16xf32>
        %get3A_506 = arith.index_cast %add3A_405 : i32 to index
        %get3A_507 = arith.constant 112 : index
        %get3A_508 = tpu.vector_load %arg12[%get3A_506, %get3A_507] {strides = array<i32>} : memref<64x128xf32, #tpu.memory_space<vmem>>, vector<1x16xf32>,
        %get3A_509 = vector.shape_cast %get3A_508 : vector<1x16xf32> to vector<16xf32>
        %add3A_510 = arith.addf %get3A_505, %get3A_509 : vector<16xf32>
        %swap3A_511 = arith.index_cast %add3A_405 : i32 to index
        %swap3A_512 = arith.constant 112 : index
        %swap3A_513 = tpu.vector_load %arg10[%swap3A_511, %swap3A_512] {strides = array<i32>} : memref<64x128xf32, #tpu.memory_space<vmem>>, vector<1x16xf32>,
        %swap3A_514 = vector.shape_cast %swap3A_513 : vector<1x16xf32> to vector<16xf32>
        %swap3A_515 = vector.shape_cast %add3A_510 : vector<16xf32> to vector<1x16xf32>
        tpu.vector_store %arg10[%swap3A_511, %swap3A_512], %swap3A_515 {strides = array<i32>} : memref<64x128xf32, #tpu.memory_space<vmem>>, vector<1x16xf32>,
      }
      %scan3A_171 = arith.constant 64 : i32
      %dma_start3A_172 = arith.constant 0 : i32
      %dma_start3A_173 = arith.constant 0 : i32
      %dma_start3A_174 = tpu.memref_slice %arg6[%dma_start3A_172, %dma_start3A_173] : memref<4x64xi32, #tpu.memory_space<vmem>> -> memref<1x64xi32, #tpu.memory_space<vmem>>
      %dma_start3A_175 = tpu.memref_squeeze %dma_start3A_174 : memref<1x64xi32, #tpu.memory_space<vmem>> -> memref<64xi32, #tpu.memory_space<vmem>>
      %dma_start3A_176 = arith.constant 0 : i32
      %dma_start3A_177 = arith.constant 0 : i32
      %dma_start3A_178 = tpu.memref_slice %arg16[%dma_start3A_176, %dma_start3A_177] : memref<10064x128xf32, #tpu.memory_space<vmem_shared>> -> memref<10064x128xf32, #tpu.memory_space<vmem_shared>>
      tpu.enqueue_indirect_dma source(%arg10 : memref<64x128xf32, #tpu.memory_space<vmem>>) target(%dma_start3A_178 : memref<10064x128xf32, #tpu.memory_space<vmem_shared>>) offsets(%dma_start3A_175 : memref<64xi32, #tpu.memory_space<vmem>>) semaphore(%arg21 : memref<!tpu.dma_semaphore, #tpu.memory_space<semaphore_mem>>) {add = true}
      %mul3A_179 = arith.constant 4 : i32
      %mul3A_180 = arith.muli %mul3A_179, %add3A_107 : i32
      %add3A_181 = arith.constant 1 : i32
      %add3A_182 = arith.addi %mul3A_180, %add3A_181 : i32
      %dma_wait3A_183 = arith.constant 0 : i32
      %dma_wait3A_184 = arith.constant 0 : i32
      %dma_wait3A_185 = arith.constant 0 : i32
      %dma_wait3A_186 = tpu.memref_slice %arg2[%dma_wait3A_183, %dma_wait3A_184, %dma_wait3A_185] : memref<5120x4x64xi32, #tpu.memory_space<hbm>> -> memref<1x4x64xi32, #tpu.memory_space<hbm>>
      %dma_wait3A_187 = tpu.memref_squeeze %dma_wait3A_186 : memref<1x4x64xi32, #tpu.memory_space<hbm>> -> memref<4x64xi32, #tpu.memory_space<hbm>>
      %dma_wait3A_188 = arith.constant 0 : i32
      %dma_wait3A_189 = arith.constant 0 : i32
      %dma_wait3A_190 = tpu.memref_slice %arg2[%dma_wait3A_183, %dma_wait3A_188, %dma_wait3A_189] : memref<5120x4x64xi32, #tpu.memory_space<hbm>> -> memref<1x4x64xi32, #tpu.memory_space<hbm>>
      %dma_wait3A_191 = tpu.memref_squeeze %dma_wait3A_190 : memref<1x4x64xi32, #tpu.memory_space<hbm>> -> memref<4x64xi32, #tpu.memory_space<hbm>>
      tpu.wait_dma2 semaphore(%arg17 : memref<!tpu.dma_semaphore, #tpu.memory_space<semaphore_mem>>) src(%dma_wait3A_191 : memref<4x64xi32, #tpu.memory_space<hbm>>) dst(%arg6 : memref<4x64xi32, #tpu.memory_space<vmem>>)
      %scan3A_192 = arith.constant 0 : i32
      %scan3A_193 = arith.constant 4 : i32
      %scan3A_194 = arith.addi %scan3A_192, %scan3A_193 : i32
      %scan3A_195 = arith.constant 1 : i32
      scf.for %scan3A_401 = %scan3A_192 to %scan3A_194 step %scan3A_195  : i32 {
        %mul3A_402 = arith.constant 1 : i32
        %mul3A_403 = arith.muli %scan3A_401, %mul3A_402 : i32
        %add3A_404 = arith.constant 0 : i32
        %add3A_405 = arith.addi %add3A_404, %mul3A_403 : i32
        %mul3A_406 = arith.constant 16 : i32
        %mul3A_407 = arith.muli %add3A_405, %mul3A_406 : i32
        %get3A = arith.constant 2 : i32
        %get3A_408 = arith.index_cast %get3A : i32 to index
        %get3A_409 = arith.index_cast %mul3A_407 : i32 to index
        %get3A_410 = tpu.vector_load %arg8[%get3A_408, %get3A_409] {strides = array<i32>} : memref<4x64xi32, #tpu.memory_space<vmem>>, vector<1x16xi32>,
        %get3A_411 = vector.shape_cast %get3A_410 : vector<1x16xi32> to vector<16xi32>
        %mul3A_412 = arith.constant 3 : i32
        %mul3A_413 = vector.broadcast %mul3A_412 : i32 to vector<16xi32>
        %mul3A_414 = arith.muli %get3A_411, %mul3A_413 : vector<16xi32>
        %get3A_415 = arith.constant 3 : i32
        %get3A_416 = arith.index_cast %get3A_415 : i32 to index
        %get3A_417 = arith.index_cast %mul3A_407 : i32 to index
        %get3A_418 = tpu.vector_load %arg8[%get3A_416, %get3A_417] {strides = array<i32>} : memref<4x64xi32, #tpu.memory_space<vmem>>, vector<1x16xi32>,
        %get3A_419 = vector.shape_cast %get3A_418 : vector<1x16xi32> to vector<16xi32>
        %add3A_420 = arith.addi %mul3A_414, %get3A_419 : vector<16xi32>
        %add3A_421 = vector.broadcast %mul3A_31 : i32 to vector<16xi32>
        %add3A_422 = arith.addi %add3A_420, %add3A_421 : vector<16xi32>
        %swap3A = arith.index_cast %mul3A_407 : i32 to index
        %swap3A_423 = tpu.vector_load %arg14[%swap3A] {strides = array<i32>} : memref<64xi32, #tpu.memory_space<vmem>>, vector<16xi32>,
        %swap3A_424 = vector.shape_cast %swap3A_423 : vector<16xi32> to vector<16xi32>
        %swap3A_425 = vector.shape_cast %add3A_422 : vector<16xi32> to vector<16xi32>
        tpu.vector_store %arg14[%swap3A], %swap3A_425 {strides = array<i32>} : memref<64xi32, #tpu.memory_space<vmem>>, vector<16xi32>,
      }
      %scan3A_196 = arith.constant 4 : i32
      %dma_wait3A_197 = arith.constant 0 : i32
      %dma_wait3A_198 = arith.constant 0 : i32
      %dma_wait3A_199 = tpu.memref_slice %arg6[%dma_wait3A_197, %dma_wait3A_198] : memref<4x64xi32, #tpu.memory_space<vmem>> -> memref<1x64xi32, #tpu.memory_space<vmem>>
      %dma_wait3A_200 = tpu.memref_squeeze %dma_wait3A_199 : memref<1x64xi32, #tpu.memory_space<vmem>> -> memref<64xi32, #tpu.memory_space<vmem>>
      %dma_wait3A_201 = arith.constant 0 : i32
      %dma_wait3A_202 = arith.constant 0 : i32
      %dma_wait3A_203 = tpu.memref_slice %arg16[%dma_wait3A_201, %dma_wait3A_202] : memref<10064x128xf32, #tpu.memory_space<vmem_shared>> -> memref<10064x128xf32, #tpu.memory_space<vmem_shared>>
      tpu.wait_indirect_dma semaphore(%arg21 : memref<!tpu.dma_semaphore, #tpu.memory_space<semaphore_mem>>) src(%arg10 : memref<64x128xf32, #tpu.memory_space<vmem>>) dst(%dma_wait3A_203 : memref<10064x128xf32, #tpu.memory_space<vmem_shared>>)
      %dma_start3A_204 = arith.constant 1 : i32
      %dma_start3A_205 = arith.constant 0 : i32
      %dma_start3A_206 = tpu.memref_slice %arg8[%dma_start3A_204, %dma_start3A_205] : memref<4x64xi32, #tpu.memory_space<vmem>> -> memref<1x64xi32, #tpu.memory_space<vmem>>
      %dma_start3A_207 = tpu.memref_squeeze %dma_start3A_206 : memref<1x64xi32, #tpu.memory_space<vmem>> -> memref<64xi32, #tpu.memory_space<vmem>>
      %dma_start3A_208 = arith.constant 0 : i32
      %dma_start3A_209 = arith.constant 0 : i32
      %dma_start3A_210 = tpu.memref_slice %arg3[%dma_start3A_208, %dma_start3A_209] : memref<10000x128xf32, #tpu.memory_space<hbm>> -> memref<10000x128xf32, #tpu.memory_space<hbm>>
      tpu.enqueue_indirect_dma source(%dma_start3A_210 : memref<10000x128xf32, #tpu.memory_space<hbm>>) target(%arg10 : memref<64x128xf32, #tpu.memory_space<vmem>>) offsets(%dma_start3A_207 : memref<64xi32, #tpu.memory_space<vmem>>) semaphore(%arg19 : memref<!tpu.dma_semaphore, #tpu.memory_space<semaphore_mem>>)
      %dma_start3A_211 = arith.constant 0 : i32
      %dma_start3A_212 = arith.constant 0 : i32
      %dma_start3A_213 = tpu.memref_slice %arg4[%dma_start3A_211, %dma_start3A_212] : memref<512x128xf32, #tpu.memory_space<hbm>> -> memref<512x128xf32, #tpu.memory_space<hbm>>
      tpu.enqueue_indirect_dma source(%dma_start3A_213 : memref<512x128xf32, #tpu.memory_space<hbm>>) target(%arg12 : memref<64x128xf32, #tpu.memory_space<vmem>>) offsets(%arg14 : memref<64xi32, #tpu.memory_space<vmem>>) semaphore(%arg19 : memref<!tpu.dma_semaphore, #tpu.memory_space<semaphore_mem>>)
      %add3A_214 = arith.constant 2 : i32
      %add3A_215 = arith.addi %add3A_182, %add3A_214 : i32
      %min3A_216 = arith.constant 159 : i32
      %min3A_217 = arith.minsi %add3A_215, %min3A_216 : i32
      %mul3A_218 = arith.constant 32 : i32
      %mul3A_219 = arith.muli %min3A_217, %mul3A_218 : i32
      %add3A_220 = arith.addi %mul3A_219, %add3A : i32
      %dma_start3A_221 = arith.constant 0 : i32
      %dma_start3A_222 = arith.constant 0 : i32
      %dma_start3A_223 = tpu.memref_slice %arg2[%add3A_220, %dma_start3A_221, %dma_start3A_222] : memref<5120x4x64xi32, #tpu.memory_space<hbm>> -> memref<1x4x64xi32, #tpu.memory_space<hbm>>
      %dma_start3A_224 = tpu.memref_squeeze %dma_start3A_223 : memref<1x4x64xi32, #tpu.memory_space<hbm>> -> memref<4x64xi32, #tpu.memory_space<hbm>>
      %dma_start3A_225 = arith.constant 0 : i32
      %dma_start3A_226 = arith.constant 0 : i32
      %dma_start3A_227 = tpu.memref_slice %arg2[%add3A_220, %dma_start3A_225, %dma_start3A_226] : memref<5120x4x64xi32, #tpu.memory_space<hbm>> -> memref<1x4x64xi32, #tpu.memory_space<hbm>>
      %dma_start3A_228 = tpu.memref_squeeze %dma_start3A_227 : memref<1x4x64xi32, #tpu.memory_space<hbm>> -> memref<4x64xi32, #tpu.memory_space<hbm>>
      tpu.enqueue_dma source(%dma_start3A_228 : memref<4x64xi32, #tpu.memory_space<hbm>>) target(%arg9 : memref<4x64xi32, #tpu.memory_space<vmem>>) target_semaphore(%arg18 : memref<!tpu.dma_semaphore, #tpu.memory_space<semaphore_mem>>)
      %dma_wait3A_229 = arith.constant 0 : i32
      %dma_wait3A_230 = arith.constant 0 : i32
      %dma_wait3A_231 = tpu.memref_slice %arg3[%dma_wait3A_229, %dma_wait3A_230] : memref<10000x128xf32, #tpu.memory_space<hbm>> -> memref<64x128xf32, #tpu.memory_space<hbm>>
      %dma_wait3A_232 = arith.constant 0 : i32
      %dma_wait3A_233 = arith.constant 0 : i32
      %dma_wait3A_234 = tpu.memref_slice %arg3[%dma_wait3A_232, %dma_wait3A_233] : memref<10000x128xf32, #tpu.memory_space<hbm>> -> memref<64x128xf32, #tpu.memory_space<hbm>>
      tpu.wait_dma2 semaphore(%arg20 : memref<!tpu.dma_semaphore, #tpu.memory_space<semaphore_mem>>) src(%dma_wait3A_234 : memref<64x128xf32, #tpu.memory_space<hbm>>) dst(%arg11 : memref<64x128xf32, #tpu.memory_space<vmem>>)
      %dma_wait3A_235 = arith.constant 0 : i32
      %dma_wait3A_236 = arith.constant 0 : i32
      %dma_wait3A_237 = tpu.memref_slice %arg3[%dma_wait3A_235, %dma_wait3A_236] : memref<10000x128xf32, #tpu.memory_space<hbm>> -> memref<64x128xf32, #tpu.memory_space<hbm>>
      %dma_wait3A_238 = arith.constant 0 : i32
      %dma_wait3A_239 = arith.constant 0 : i32
      %dma_wait3A_240 = tpu.memref_slice %arg3[%dma_wait3A_238, %dma_wait3A_239] : memref<10000x128xf32, #tpu.memory_space<hbm>> -> memref<64x128xf32, #tpu.memory_space<hbm>>
      tpu.wait_dma2 semaphore(%arg20 : memref<!tpu.dma_semaphore, #tpu.memory_space<semaphore_mem>>) src(%dma_wait3A_240 : memref<64x128xf32, #tpu.memory_space<hbm>>) dst(%arg13 : memref<64x128xf32, #tpu.memory_space<vmem>>)
      %scan3A_241 = arith.constant 0 : i32
      %scan3A_242 = arith.constant 64 : i32
      %scan3A_243 = arith.addi %scan3A_241, %scan3A_242 : i32
      %scan3A_244 = arith.constant 1 : i32
      scf.for %scan3A_401 = %scan3A_241 to %scan3A_243 step %scan3A_244  : i32 {
        %mul3A_402 = arith.constant 1 : i32
        %mul3A_403 = arith.muli %scan3A_401, %mul3A_402 : i32
        %add3A_404 = arith.constant 0 : i32
        %add3A_405 = arith.addi %add3A_404, %mul3A_403 : i32
        %get3A = arith.index_cast %add3A_405 : i32 to index
        %get3A_406 = arith.constant 0 : index
        %get3A_407 = tpu.vector_load %arg11[%get3A, %get3A_406] {strides = array<i32>} : memref<64x128xf32, #tpu.memory_space<vmem>>, vector<1x16xf32>,
        %get3A_408 = vector.shape_cast %get3A_407 : vector<1x16xf32> to vector<16xf32>
        %get3A_409 = arith.index_cast %add3A_405 : i32 to index
        %get3A_410 = arith.constant 0 : index
        %get3A_411 = tpu.vector_load %arg13[%get3A_409, %get3A_410] {strides = array<i32>} : memref<64x128xf32, #tpu.memory_space<vmem>>, vector<1x16xf32>,
        %get3A_412 = vector.shape_cast %get3A_411 : vector<1x16xf32> to vector<16xf32>
        %add3A_413 = arith.addf %get3A_408, %get3A_412 : vector<16xf32>
        %swap3A = arith.index_cast %add3A_405 : i32 to index
        %swap3A_414 = arith.constant 0 : index
        %swap3A_415 = tpu.vector_load %arg11[%swap3A, %swap3A_414] {strides = array<i32>} : memref<64x128xf32, #tpu.memory_space<vmem>>, vector<1x16xf32>,
        %swap3A_416 = vector.shape_cast %swap3A_415 : vector<1x16xf32> to vector<16xf32>
        %swap3A_417 = vector.shape_cast %add3A_413 : vector<16xf32> to vector<1x16xf32>
        tpu.vector_store %arg11[%swap3A, %swap3A_414], %swap3A_417 {strides = array<i32>} : memref<64x128xf32, #tpu.memory_space<vmem>>, vector<1x16xf32>,
        %get3A_418 = arith.index_cast %add3A_405 : i32 to index
        %get3A_419 = arith.constant 16 : index
        %get3A_420 = tpu.vector_load %arg11[%get3A_418, %get3A_419] {strides = array<i32>} : memref<64x128xf32, #tpu.memory_space<vmem>>, vector<1x16xf32>,
        %get3A_421 = vector.shape_cast %get3A_420 : vector<1x16xf32> to vector<16xf32>
        %get3A_422 = arith.index_cast %add3A_405 : i32 to index
        %get3A_423 = arith.constant 16 : index
        %get3A_424 = tpu.vector_load %arg13[%get3A_422, %get3A_423] {strides = array<i32>} : memref<64x128xf32, #tpu.memory_space<vmem>>, vector<1x16xf32>,
        %get3A_425 = vector.shape_cast %get3A_424 : vector<1x16xf32> to vector<16xf32>
        %add3A_426 = arith.addf %get3A_421, %get3A_425 : vector<16xf32>
        %swap3A_427 = arith.index_cast %add3A_405 : i32 to index
        %swap3A_428 = arith.constant 16 : index
        %swap3A_429 = tpu.vector_load %arg11[%swap3A_427, %swap3A_428] {strides = array<i32>} : memref<64x128xf32, #tpu.memory_space<vmem>>, vector<1x16xf32>,
        %swap3A_430 = vector.shape_cast %swap3A_429 : vector<1x16xf32> to vector<16xf32>
        %swap3A_431 = vector.shape_cast %add3A_426 : vector<16xf32> to vector<1x16xf32>
        tpu.vector_store %arg11[%swap3A_427, %swap3A_428], %swap3A_431 {strides = array<i32>} : memref<64x128xf32, #tpu.memory_space<vmem>>, vector<1x16xf32>,
        %get3A_432 = arith.index_cast %add3A_405 : i32 to index
        %get3A_433 = arith.constant 32 : index
        %get3A_434 = tpu.vector_load %arg11[%get3A_432, %get3A_433] {strides = array<i32>} : memref<64x128xf32, #tpu.memory_space<vmem>>, vector<1x16xf32>,
        %get3A_435 = vector.shape_cast %get3A_434 : vector<1x16xf32> to vector<16xf32>
        %get3A_436 = arith.index_cast %add3A_405 : i32 to index
        %get3A_437 = arith.constant 32 : index
        %get3A_438 = tpu.vector_load %arg13[%get3A_436, %get3A_437] {strides = array<i32>} : memref<64x128xf32, #tpu.memory_space<vmem>>, vector<1x16xf32>,
        %get3A_439 = vector.shape_cast %get3A_438 : vector<1x16xf32> to vector<16xf32>
        %add3A_440 = arith.addf %get3A_435, %get3A_439 : vector<16xf32>
        %swap3A_441 = arith.index_cast %add3A_405 : i32 to index
        %swap3A_442 = arith.constant 32 : index
        %swap3A_443 = tpu.vector_load %arg11[%swap3A_441, %swap3A_442] {strides = array<i32>} : memref<64x128xf32, #tpu.memory_space<vmem>>, vector<1x16xf32>,
        %swap3A_444 = vector.shape_cast %swap3A_443 : vector<1x16xf32> to vector<16xf32>
        %swap3A_445 = vector.shape_cast %add3A_440 : vector<16xf32> to vector<1x16xf32>
        tpu.vector_store %arg11[%swap3A_441, %swap3A_442], %swap3A_445 {strides = array<i32>} : memref<64x128xf32, #tpu.memory_space<vmem>>, vector<1x16xf32>,
        %get3A_446 = arith.index_cast %add3A_405 : i32 to index
        %get3A_447 = arith.constant 48 : index
        %get3A_448 = tpu.vector_load %arg11[%get3A_446, %get3A_447] {strides = array<i32>} : memref<64x128xf32, #tpu.memory_space<vmem>>, vector<1x16xf32>,
        %get3A_449 = vector.shape_cast %get3A_448 : vector<1x16xf32> to vector<16xf32>
        %get3A_450 = arith.index_cast %add3A_405 : i32 to index
        %get3A_451 = arith.constant 48 : index
        %get3A_452 = tpu.vector_load %arg13[%get3A_450, %get3A_451] {strides = array<i32>} : memref<64x128xf32, #tpu.memory_space<vmem>>, vector<1x16xf32>,
        %get3A_453 = vector.shape_cast %get3A_452 : vector<1x16xf32> to vector<16xf32>
        %add3A_454 = arith.addf %get3A_449, %get3A_453 : vector<16xf32>
        %swap3A_455 = arith.index_cast %add3A_405 : i32 to index
        %swap3A_456 = arith.constant 48 : index
        %swap3A_457 = tpu.vector_load %arg11[%swap3A_455, %swap3A_456] {strides = array<i32>} : memref<64x128xf32, #tpu.memory_space<vmem>>, vector<1x16xf32>,
        %swap3A_458 = vector.shape_cast %swap3A_457 : vector<1x16xf32> to vector<16xf32>
        %swap3A_459 = vector.shape_cast %add3A_454 : vector<16xf32> to vector<1x16xf32>
        tpu.vector_store %arg11[%swap3A_455, %swap3A_456], %swap3A_459 {strides = array<i32>} : memref<64x128xf32, #tpu.memory_space<vmem>>, vector<1x16xf32>,
        %get3A_460 = arith.index_cast %add3A_405 : i32 to index
        %get3A_461 = arith.constant 64 : index
        %get3A_462 = tpu.vector_load %arg11[%get3A_460, %get3A_461] {strides = array<i32>} : memref<64x128xf32, #tpu.memory_space<vmem>>, vector<1x16xf32>,
        %get3A_463 = vector.shape_cast %get3A_462 : vector<1x16xf32> to vector<16xf32>
        %get3A_464 = arith.index_cast %add3A_405 : i32 to index
        %get3A_465 = arith.constant 64 : index
        %get3A_466 = tpu.vector_load %arg13[%get3A_464, %get3A_465] {strides = array<i32>} : memref<64x128xf32, #tpu.memory_space<vmem>>, vector<1x16xf32>,
        %get3A_467 = vector.shape_cast %get3A_466 : vector<1x16xf32> to vector<16xf32>
        %add3A_468 = arith.addf %get3A_463, %get3A_467 : vector<16xf32>
        %swap3A_469 = arith.index_cast %add3A_405 : i32 to index
        %swap3A_470 = arith.constant 64 : index
        %swap3A_471 = tpu.vector_load %arg11[%swap3A_469, %swap3A_470] {strides = array<i32>} : memref<64x128xf32, #tpu.memory_space<vmem>>, vector<1x16xf32>,
        %swap3A_472 = vector.shape_cast %swap3A_471 : vector<1x16xf32> to vector<16xf32>
        %swap3A_473 = vector.shape_cast %add3A_468 : vector<16xf32> to vector<1x16xf32>
        tpu.vector_store %arg11[%swap3A_469, %swap3A_470], %swap3A_473 {strides = array<i32>} : memref<64x128xf32, #tpu.memory_space<vmem>>, vector<1x16xf32>,
        %get3A_474 = arith.index_cast %add3A_405 : i32 to index
        %get3A_475 = arith.constant 80 : index
        %get3A_476 = tpu.vector_load %arg11[%get3A_474, %get3A_475] {strides = array<i32>} : memref<64x128xf32, #tpu.memory_space<vmem>>, vector<1x16xf32>,
        %get3A_477 = vector.shape_cast %get3A_476 : vector<1x16xf32> to vector<16xf32>
        %get3A_478 = arith.index_cast %add3A_405 : i32 to index
        %get3A_479 = arith.constant 80 : index
        %get3A_480 = tpu.vector_load %arg13[%get3A_478, %get3A_479] {strides = array<i32>} : memref<64x128xf32, #tpu.memory_space<vmem>>, vector<1x16xf32>,
        %get3A_481 = vector.shape_cast %get3A_480 : vector<1x16xf32> to vector<16xf32>
        %add3A_482 = arith.addf %get3A_477, %get3A_481 : vector<16xf32>
        %swap3A_483 = arith.index_cast %add3A_405 : i32 to index
        %swap3A_484 = arith.constant 80 : index
        %swap3A_485 = tpu.vector_load %arg11[%swap3A_483, %swap3A_484] {strides = array<i32>} : memref<64x128xf32, #tpu.memory_space<vmem>>, vector<1x16xf32>,
        %swap3A_486 = vector.shape_cast %swap3A_485 : vector<1x16xf32> to vector<16xf32>
        %swap3A_487 = vector.shape_cast %add3A_482 : vector<16xf32> to vector<1x16xf32>
        tpu.vector_store %arg11[%swap3A_483, %swap3A_484], %swap3A_487 {strides = array<i32>} : memref<64x128xf32, #tpu.memory_space<vmem>>, vector<1x16xf32>,
        %get3A_488 = arith.index_cast %add3A_405 : i32 to index
        %get3A_489 = arith.constant 96 : index
        %get3A_490 = tpu.vector_load %arg11[%get3A_488, %get3A_489] {strides = array<i32>} : memref<64x128xf32, #tpu.memory_space<vmem>>, vector<1x16xf32>,
        %get3A_491 = vector.shape_cast %get3A_490 : vector<1x16xf32> to vector<16xf32>
        %get3A_492 = arith.index_cast %add3A_405 : i32 to index
        %get3A_493 = arith.constant 96 : index
        %get3A_494 = tpu.vector_load %arg13[%get3A_492, %get3A_493] {strides = array<i32>} : memref<64x128xf32, #tpu.memory_space<vmem>>, vector<1x16xf32>,
        %get3A_495 = vector.shape_cast %get3A_494 : vector<1x16xf32> to vector<16xf32>
        %add3A_496 = arith.addf %get3A_491, %get3A_495 : vector<16xf32>
        %swap3A_497 = arith.index_cast %add3A_405 : i32 to index
        %swap3A_498 = arith.constant 96 : index
        %swap3A_499 = tpu.vector_load %arg11[%swap3A_497, %swap3A_498] {strides = array<i32>} : memref<64x128xf32, #tpu.memory_space<vmem>>, vector<1x16xf32>,
        %swap3A_500 = vector.shape_cast %swap3A_499 : vector<1x16xf32> to vector<16xf32>
        %swap3A_501 = vector.shape_cast %add3A_496 : vector<16xf32> to vector<1x16xf32>
        tpu.vector_store %arg11[%swap3A_497, %swap3A_498], %swap3A_501 {strides = array<i32>} : memref<64x128xf32, #tpu.memory_space<vmem>>, vector<1x16xf32>,
        %get3A_502 = arith.index_cast %add3A_405 : i32 to index
        %get3A_503 = arith.constant 112 : index
        %get3A_504 = tpu.vector_load %arg11[%get3A_502, %get3A_503] {strides = array<i32>} : memref<64x128xf32, #tpu.memory_space<vmem>>, vector<1x16xf32>,
        %get3A_505 = vector.shape_cast %get3A_504 : vector<1x16xf32> to vector<16xf32>
        %get3A_506 = arith.index_cast %add3A_405 : i32 to index
        %get3A_507 = arith.constant 112 : index
        %get3A_508 = tpu.vector_load %arg13[%get3A_506, %get3A_507] {strides = array<i32>} : memref<64x128xf32, #tpu.memory_space<vmem>>, vector<1x16xf32>,
        %get3A_509 = vector.shape_cast %get3A_508 : vector<1x16xf32> to vector<16xf32>
        %add3A_510 = arith.addf %get3A_505, %get3A_509 : vector<16xf32>
        %swap3A_511 = arith.index_cast %add3A_405 : i32 to index
        %swap3A_512 = arith.constant 112 : index
        %swap3A_513 = tpu.vector_load %arg11[%swap3A_511, %swap3A_512] {strides = array<i32>} : memref<64x128xf32, #tpu.memory_space<vmem>>, vector<1x16xf32>,
        %swap3A_514 = vector.shape_cast %swap3A_513 : vector<1x16xf32> to vector<16xf32>
        %swap3A_515 = vector.shape_cast %add3A_510 : vector<16xf32> to vector<1x16xf32>
        tpu.vector_store %arg11[%swap3A_511, %swap3A_512], %swap3A_515 {strides = array<i32>} : memref<64x128xf32, #tpu.memory_space<vmem>>, vector<1x16xf32>,
      }
      %scan3A_245 = arith.constant 64 : i32
      %dma_start3A_246 = arith.constant 0 : i32
      %dma_start3A_247 = arith.constant 0 : i32
      %dma_start3A_248 = tpu.memref_slice %arg7[%dma_start3A_246, %dma_start3A_247] : memref<4x64xi32, #tpu.memory_space<vmem>> -> memref<1x64xi32, #tpu.memory_space<vmem>>
      %dma_start3A_249 = tpu.memref_squeeze %dma_start3A_248 : memref<1x64xi32, #tpu.memory_space<vmem>> -> memref<64xi32, #tpu.memory_space<vmem>>
      %dma_start3A_250 = arith.constant 0 : i32
      %dma_start3A_251 = arith.constant 0 : i32
      %dma_start3A_252 = tpu.memref_slice %arg16[%dma_start3A_250, %dma_start3A_251] : memref<10064x128xf32, #tpu.memory_space<vmem_shared>> -> memref<10064x128xf32, #tpu.memory_space<vmem_shared>>
      tpu.enqueue_indirect_dma source(%arg11 : memref<64x128xf32, #tpu.memory_space<vmem>>) target(%dma_start3A_252 : memref<10064x128xf32, #tpu.memory_space<vmem_shared>>) offsets(%dma_start3A_249 : memref<64xi32, #tpu.memory_space<vmem>>) semaphore(%arg22 : memref<!tpu.dma_semaphore, #tpu.memory_space<semaphore_mem>>) {add = true}
      %mul3A_253 = arith.constant 4 : i32
      %mul3A_254 = arith.muli %mul3A_253, %add3A_107 : i32
      %add3A_255 = arith.constant 2 : i32
      %add3A_256 = arith.addi %mul3A_254, %add3A_255 : i32
      %dma_wait3A_257 = arith.constant 0 : i32
      %dma_wait3A_258 = arith.constant 0 : i32
      %dma_wait3A_259 = arith.constant 0 : i32
      %dma_wait3A_260 = tpu.memref_slice %arg2[%dma_wait3A_257, %dma_wait3A_258, %dma_wait3A_259] : memref<5120x4x64xi32, #tpu.memory_space<hbm>> -> memref<1x4x64xi32, #tpu.memory_space<hbm>>
      %dma_wait3A_261 = tpu.memref_squeeze %dma_wait3A_260 : memref<1x4x64xi32, #tpu.memory_space<hbm>> -> memref<4x64xi32, #tpu.memory_space<hbm>>
      %dma_wait3A_262 = arith.constant 0 : i32
      %dma_wait3A_263 = arith.constant 0 : i32
      %dma_wait3A_264 = tpu.memref_slice %arg2[%dma_wait3A_257, %dma_wait3A_262, %dma_wait3A_263] : memref<5120x4x64xi32, #tpu.memory_space<hbm>> -> memref<1x4x64xi32, #tpu.memory_space<hbm>>
      %dma_wait3A_265 = tpu.memref_squeeze %dma_wait3A_264 : memref<1x4x64xi32, #tpu.memory_space<hbm>> -> memref<4x64xi32, #tpu.memory_space<hbm>>
      tpu.wait_dma2 semaphore(%arg18 : memref<!tpu.dma_semaphore, #tpu.memory_space<semaphore_mem>>) src(%dma_wait3A_265 : memref<4x64xi32, #tpu.memory_space<hbm>>) dst(%arg6 : memref<4x64xi32, #tpu.memory_space<vmem>>)
      %scan3A_266 = arith.constant 0 : i32
      %scan3A_267 = arith.constant 4 : i32
      %scan3A_268 = arith.addi %scan3A_266, %scan3A_267 : i32
      %scan3A_269 = arith.constant 1 : i32
      scf.for %scan3A_401 = %scan3A_266 to %scan3A_268 step %scan3A_269  : i32 {
        %mul3A_402 = arith.constant 1 : i32
        %mul3A_403 = arith.muli %scan3A_401, %mul3A_402 : i32
        %add3A_404 = arith.constant 0 : i32
        %add3A_405 = arith.addi %add3A_404, %mul3A_403 : i32
        %mul3A_406 = arith.constant 16 : i32
        %mul3A_407 = arith.muli %add3A_405, %mul3A_406 : i32
        %get3A = arith.constant 2 : i32
        %get3A_408 = arith.index_cast %get3A : i32 to index
        %get3A_409 = arith.index_cast %mul3A_407 : i32 to index
        %get3A_410 = tpu.vector_load %arg9[%get3A_408, %get3A_409] {strides = array<i32>} : memref<4x64xi32, #tpu.memory_space<vmem>>, vector<1x16xi32>,
        %get3A_411 = vector.shape_cast %get3A_410 : vector<1x16xi32> to vector<16xi32>
        %mul3A_412 = arith.constant 3 : i32
        %mul3A_413 = vector.broadcast %mul3A_412 : i32 to vector<16xi32>
        %mul3A_414 = arith.muli %get3A_411, %mul3A_413 : vector<16xi32>
        %get3A_415 = arith.constant 3 : i32
        %get3A_416 = arith.index_cast %get3A_415 : i32 to index
        %get3A_417 = arith.index_cast %mul3A_407 : i32 to index
        %get3A_418 = tpu.vector_load %arg9[%get3A_416, %get3A_417] {strides = array<i32>} : memref<4x64xi32, #tpu.memory_space<vmem>>, vector<1x16xi32>,
        %get3A_419 = vector.shape_cast %get3A_418 : vector<1x16xi32> to vector<16xi32>
        %add3A_420 = arith.addi %mul3A_414, %get3A_419 : vector<16xi32>
        %add3A_421 = vector.broadcast %mul3A_31 : i32 to vector<16xi32>
        %add3A_422 = arith.addi %add3A_420, %add3A_421 : vector<16xi32>
        %swap3A = arith.index_cast %mul3A_407 : i32 to index
        %swap3A_423 = tpu.vector_load %arg15[%swap3A] {strides = array<i32>} : memref<64xi32, #tpu.memory_space<vmem>>, vector<16xi32>,
        %swap3A_424 = vector.shape_cast %swap3A_423 : vector<16xi32> to vector<16xi32>
        %swap3A_425 = vector.shape_cast %add3A_422 : vector<16xi32> to vector<16xi32>
        tpu.vector_store %arg15[%swap3A], %swap3A_425 {strides = array<i32>} : memref<64xi32, #tpu.memory_space<vmem>>, vector<16xi32>,
      }
      %scan3A_270 = arith.constant 4 : i32
      %dma_wait3A_271 = arith.constant 0 : i32
      %dma_wait3A_272 = arith.constant 0 : i32
      %dma_wait3A_273 = tpu.memref_slice %arg7[%dma_wait3A_271, %dma_wait3A_272] : memref<4x64xi32, #tpu.memory_space<vmem>> -> memref<1x64xi32, #tpu.memory_space<vmem>>
      %dma_wait3A_274 = tpu.memref_squeeze %dma_wait3A_273 : memref<1x64xi32, #tpu.memory_space<vmem>> -> memref<64xi32, #tpu.memory_space<vmem>>
      %dma_wait3A_275 = arith.constant 0 : i32
      %dma_wait3A_276 = arith.constant 0 : i32
      %dma_wait3A_277 = tpu.memref_slice %arg16[%dma_wait3A_275, %dma_wait3A_276] : memref<10064x128xf32, #tpu.memory_space<vmem_shared>> -> memref<10064x128xf32, #tpu.memory_space<vmem_shared>>
      tpu.wait_indirect_dma semaphore(%arg22 : memref<!tpu.dma_semaphore, #tpu.memory_space<semaphore_mem>>) src(%arg11 : memref<64x128xf32, #tpu.memory_space<vmem>>) dst(%dma_wait3A_277 : memref<10064x128xf32, #tpu.memory_space<vmem_shared>>)
      %dma_start3A_278 = arith.constant 1 : i32
      %dma_start3A_279 = arith.constant 0 : i32
      %dma_start3A_280 = tpu.memref_slice %arg9[%dma_start3A_278, %dma_start3A_279] : memref<4x64xi32, #tpu.memory_space<vmem>> -> memref<1x64xi32, #tpu.memory_space<vmem>>
      %dma_start3A_281 = tpu.memref_squeeze %dma_start3A_280 : memref<1x64xi32, #tpu.memory_space<vmem>> -> memref<64xi32, #tpu.memory_space<vmem>>
      %dma_start3A_282 = arith.constant 0 : i32
      %dma_start3A_283 = arith.constant 0 : i32
      %dma_start3A_284 = tpu.memref_slice %arg3[%dma_start3A_282, %dma_start3A_283] : memref<10000x128xf32, #tpu.memory_space<hbm>> -> memref<10000x128xf32, #tpu.memory_space<hbm>>
      tpu.enqueue_indirect_dma source(%dma_start3A_284 : memref<10000x128xf32, #tpu.memory_space<hbm>>) target(%arg11 : memref<64x128xf32, #tpu.memory_space<vmem>>) offsets(%dma_start3A_281 : memref<64xi32, #tpu.memory_space<vmem>>) semaphore(%arg20 : memref<!tpu.dma_semaphore, #tpu.memory_space<semaphore_mem>>)
      %dma_start3A_285 = arith.constant 0 : i32
      %dma_start3A_286 = arith.constant 0 : i32
      %dma_start3A_287 = tpu.memref_slice %arg4[%dma_start3A_285, %dma_start3A_286] : memref<512x128xf32, #tpu.memory_space<hbm>> -> memref<512x128xf32, #tpu.memory_space<hbm>>
      tpu.enqueue_indirect_dma source(%dma_start3A_287 : memref<512x128xf32, #tpu.memory_space<hbm>>) target(%arg13 : memref<64x128xf32, #tpu.memory_space<vmem>>) offsets(%arg15 : memref<64xi32, #tpu.memory_space<vmem>>) semaphore(%arg20 : memref<!tpu.dma_semaphore, #tpu.memory_space<semaphore_mem>>)
      %add3A_288 = arith.constant 2 : i32
      %add3A_289 = arith.addi %add3A_256, %add3A_288 : i32
      %min3A_290 = arith.constant 159 : i32
      %min3A_291 = arith.minsi %add3A_289, %min3A_290 : i32
      %mul3A_292 = arith.constant 32 : i32
      %mul3A_293 = arith.muli %min3A_291, %mul3A_292 : i32
      %add3A_294 = arith.addi %mul3A_293, %add3A : i32
      %dma_start3A_295 = arith.constant 0 : i32
      %dma_start3A_296 = arith.constant 0 : i32
      %dma_start3A_297 = tpu.memref_slice %arg2[%add3A_294, %dma_start3A_295, %dma_start3A_296] : memref<5120x4x64xi32, #tpu.memory_space<hbm>> -> memref<1x4x64xi32, #tpu.memory_space<hbm>>
      %dma_start3A_298 = tpu.memref_squeeze %dma_start3A_297 : memref<1x4x64xi32, #tpu.memory_space<hbm>> -> memref<4x64xi32, #tpu.memory_space<hbm>>
      %dma_start3A_299 = arith.constant 0 : i32
      %dma_start3A_300 = arith.constant 0 : i32
      %dma_start3A_301 = tpu.memref_slice %arg2[%add3A_294, %dma_start3A_299, %dma_start3A_300] : memref<5120x4x64xi32, #tpu.memory_space<hbm>> -> memref<1x4x64xi32, #tpu.memory_space<hbm>>
      %dma_start3A_302 = tpu.memref_squeeze %dma_start3A_301 : memref<1x4x64xi32, #tpu.memory_space<hbm>> -> memref<4x64xi32, #tpu.memory_space<hbm>>
      tpu.enqueue_dma source(%dma_start3A_302 : memref<4x64xi32, #tpu.memory_space<hbm>>) target(%arg6 : memref<4x64xi32, #tpu.memory_space<vmem>>) target_semaphore(%arg17 : memref<!tpu.dma_semaphore, #tpu.memory_space<semaphore_mem>>)
      %dma_wait3A_303 = arith.constant 0 : i32
      %dma_wait3A_304 = arith.constant 0 : i32
      %dma_wait3A_305 = tpu.memref_slice %arg3[%dma_wait3A_303, %dma_wait3A_304] : memref<10000x128xf32, #tpu.memory_space<hbm>> -> memref<64x128xf32, #tpu.memory_space<hbm>>
      %dma_wait3A_306 = arith.constant 0 : i32
      %dma_wait3A_307 = arith.constant 0 : i32
      %dma_wait3A_308 = tpu.memref_slice %arg3[%dma_wait3A_306, %dma_wait3A_307] : memref<10000x128xf32, #tpu.memory_space<hbm>> -> memref<64x128xf32, #tpu.memory_space<hbm>>
      tpu.wait_dma2 semaphore(%arg19 : memref<!tpu.dma_semaphore, #tpu.memory_space<semaphore_mem>>) src(%dma_wait3A_308 : memref<64x128xf32, #tpu.memory_space<hbm>>) dst(%arg10 : memref<64x128xf32, #tpu.memory_space<vmem>>)
      %dma_wait3A_309 = arith.constant 0 : i32
      %dma_wait3A_310 = arith.constant 0 : i32
      %dma_wait3A_311 = tpu.memref_slice %arg3[%dma_wait3A_309, %dma_wait3A_310] : memref<10000x128xf32, #tpu.memory_space<hbm>> -> memref<64x128xf32, #tpu.memory_space<hbm>>
      %dma_wait3A_312 = arith.constant 0 : i32
      %dma_wait3A_313 = arith.constant 0 : i32
      %dma_wait3A_314 = tpu.memref_slice %arg3[%dma_wait3A_312, %dma_wait3A_313] : memref<10000x128xf32, #tpu.memory_space<hbm>> -> memref<64x128xf32, #tpu.memory_space<hbm>>
      tpu.wait_dma2 semaphore(%arg19 : memref<!tpu.dma_semaphore, #tpu.memory_space<semaphore_mem>>) src(%dma_wait3A_314 : memref<64x128xf32, #tpu.memory_space<hbm>>) dst(%arg12 : memref<64x128xf32, #tpu.memory_space<vmem>>)
      %scan3A_315 = arith.constant 0 : i32
      %scan3A_316 = arith.constant 64 : i32
      %scan3A_317 = arith.addi %scan3A_315, %scan3A_316 : i32
      %scan3A_318 = arith.constant 1 : i32
      scf.for %scan3A_401 = %scan3A_315 to %scan3A_317 step %scan3A_318  : i32 {
        %mul3A_402 = arith.constant 1 : i32
        %mul3A_403 = arith.muli %scan3A_401, %mul3A_402 : i32
        %add3A_404 = arith.constant 0 : i32
        %add3A_405 = arith.addi %add3A_404, %mul3A_403 : i32
        %get3A = arith.index_cast %add3A_405 : i32 to index
        %get3A_406 = arith.constant 0 : index
        %get3A_407 = tpu.vector_load %arg10[%get3A, %get3A_406] {strides = array<i32>} : memref<64x128xf32, #tpu.memory_space<vmem>>, vector<1x16xf32>,
        %get3A_408 = vector.shape_cast %get3A_407 : vector<1x16xf32> to vector<16xf32>
        %get3A_409 = arith.index_cast %add3A_405 : i32 to index
        %get3A_410 = arith.constant 0 : index
        %get3A_411 = tpu.vector_load %arg12[%get3A_409, %get3A_410] {strides = array<i32>} : memref<64x128xf32, #tpu.memory_space<vmem>>, vector<1x16xf32>,
        %get3A_412 = vector.shape_cast %get3A_411 : vector<1x16xf32> to vector<16xf32>
        %add3A_413 = arith.addf %get3A_408, %get3A_412 : vector<16xf32>
        %swap3A = arith.index_cast %add3A_405 : i32 to index
        %swap3A_414 = arith.constant 0 : index
        %swap3A_415 = tpu.vector_load %arg10[%swap3A, %swap3A_414] {strides = array<i32>} : memref<64x128xf32, #tpu.memory_space<vmem>>, vector<1x16xf32>,
        %swap3A_416 = vector.shape_cast %swap3A_415 : vector<1x16xf32> to vector<16xf32>
        %swap3A_417 = vector.shape_cast %add3A_413 : vector<16xf32> to vector<1x16xf32>
        tpu.vector_store %arg10[%swap3A, %swap3A_414], %swap3A_417 {strides = array<i32>} : memref<64x128xf32, #tpu.memory_space<vmem>>, vector<1x16xf32>,
        %get3A_418 = arith.index_cast %add3A_405 : i32 to index
        %get3A_419 = arith.constant 16 : index
        %get3A_420 = tpu.vector_load %arg10[%get3A_418, %get3A_419] {strides = array<i32>} : memref<64x128xf32, #tpu.memory_space<vmem>>, vector<1x16xf32>,
        %get3A_421 = vector.shape_cast %get3A_420 : vector<1x16xf32> to vector<16xf32>
        %get3A_422 = arith.index_cast %add3A_405 : i32 to index
        %get3A_423 = arith.constant 16 : index
        %get3A_424 = tpu.vector_load %arg12[%get3A_422, %get3A_423] {strides = array<i32>} : memref<64x128xf32, #tpu.memory_space<vmem>>, vector<1x16xf32>,
        %get3A_425 = vector.shape_cast %get3A_424 : vector<1x16xf32> to vector<16xf32>
        %add3A_426 = arith.addf %get3A_421, %get3A_425 : vector<16xf32>
        %swap3A_427 = arith.index_cast %add3A_405 : i32 to index
        %swap3A_428 = arith.constant 16 : index
        %swap3A_429 = tpu.vector_load %arg10[%swap3A_427, %swap3A_428] {strides = array<i32>} : memref<64x128xf32, #tpu.memory_space<vmem>>, vector<1x16xf32>,
        %swap3A_430 = vector.shape_cast %swap3A_429 : vector<1x16xf32> to vector<16xf32>
        %swap3A_431 = vector.shape_cast %add3A_426 : vector<16xf32> to vector<1x16xf32>
        tpu.vector_store %arg10[%swap3A_427, %swap3A_428], %swap3A_431 {strides = array<i32>} : memref<64x128xf32, #tpu.memory_space<vmem>>, vector<1x16xf32>,
        %get3A_432 = arith.index_cast %add3A_405 : i32 to index
        %get3A_433 = arith.constant 32 : index
        %get3A_434 = tpu.vector_load %arg10[%get3A_432, %get3A_433] {strides = array<i32>} : memref<64x128xf32, #tpu.memory_space<vmem>>, vector<1x16xf32>,
        %get3A_435 = vector.shape_cast %get3A_434 : vector<1x16xf32> to vector<16xf32>
        %get3A_436 = arith.index_cast %add3A_405 : i32 to index
        %get3A_437 = arith.constant 32 : index
        %get3A_438 = tpu.vector_load %arg12[%get3A_436, %get3A_437] {strides = array<i32>} : memref<64x128xf32, #tpu.memory_space<vmem>>, vector<1x16xf32>,
        %get3A_439 = vector.shape_cast %get3A_438 : vector<1x16xf32> to vector<16xf32>
        %add3A_440 = arith.addf %get3A_435, %get3A_439 : vector<16xf32>
        %swap3A_441 = arith.index_cast %add3A_405 : i32 to index
        %swap3A_442 = arith.constant 32 : index
        %swap3A_443 = tpu.vector_load %arg10[%swap3A_441, %swap3A_442] {strides = array<i32>} : memref<64x128xf32, #tpu.memory_space<vmem>>, vector<1x16xf32>,
        %swap3A_444 = vector.shape_cast %swap3A_443 : vector<1x16xf32> to vector<16xf32>
        %swap3A_445 = vector.shape_cast %add3A_440 : vector<16xf32> to vector<1x16xf32>
        tpu.vector_store %arg10[%swap3A_441, %swap3A_442], %swap3A_445 {strides = array<i32>} : memref<64x128xf32, #tpu.memory_space<vmem>>, vector<1x16xf32>,
        %get3A_446 = arith.index_cast %add3A_405 : i32 to index
        %get3A_447 = arith.constant 48 : index
        %get3A_448 = tpu.vector_load %arg10[%get3A_446, %get3A_447] {strides = array<i32>} : memref<64x128xf32, #tpu.memory_space<vmem>>, vector<1x16xf32>,
        %get3A_449 = vector.shape_cast %get3A_448 : vector<1x16xf32> to vector<16xf32>
        %get3A_450 = arith.index_cast %add3A_405 : i32 to index
        %get3A_451 = arith.constant 48 : index
        %get3A_452 = tpu.vector_load %arg12[%get3A_450, %get3A_451] {strides = array<i32>} : memref<64x128xf32, #tpu.memory_space<vmem>>, vector<1x16xf32>,
        %get3A_453 = vector.shape_cast %get3A_452 : vector<1x16xf32> to vector<16xf32>
        %add3A_454 = arith.addf %get3A_449, %get3A_453 : vector<16xf32>
        %swap3A_455 = arith.index_cast %add3A_405 : i32 to index
        %swap3A_456 = arith.constant 48 : index
        %swap3A_457 = tpu.vector_load %arg10[%swap3A_455, %swap3A_456] {strides = array<i32>} : memref<64x128xf32, #tpu.memory_space<vmem>>, vector<1x16xf32>,
        %swap3A_458 = vector.shape_cast %swap3A_457 : vector<1x16xf32> to vector<16xf32>
        %swap3A_459 = vector.shape_cast %add3A_454 : vector<16xf32> to vector<1x16xf32>
        tpu.vector_store %arg10[%swap3A_455, %swap3A_456], %swap3A_459 {strides = array<i32>} : memref<64x128xf32, #tpu.memory_space<vmem>>, vector<1x16xf32>,
        %get3A_460 = arith.index_cast %add3A_405 : i32 to index
        %get3A_461 = arith.constant 64 : index
        %get3A_462 = tpu.vector_load %arg10[%get3A_460, %get3A_461] {strides = array<i32>} : memref<64x128xf32, #tpu.memory_space<vmem>>, vector<1x16xf32>,
        %get3A_463 = vector.shape_cast %get3A_462 : vector<1x16xf32> to vector<16xf32>
        %get3A_464 = arith.index_cast %add3A_405 : i32 to index
        %get3A_465 = arith.constant 64 : index
        %get3A_466 = tpu.vector_load %arg12[%get3A_464, %get3A_465] {strides = array<i32>} : memref<64x128xf32, #tpu.memory_space<vmem>>, vector<1x16xf32>,
        %get3A_467 = vector.shape_cast %get3A_466 : vector<1x16xf32> to vector<16xf32>
        %add3A_468 = arith.addf %get3A_463, %get3A_467 : vector<16xf32>
        %swap3A_469 = arith.index_cast %add3A_405 : i32 to index
        %swap3A_470 = arith.constant 64 : index
        %swap3A_471 = tpu.vector_load %arg10[%swap3A_469, %swap3A_470] {strides = array<i32>} : memref<64x128xf32, #tpu.memory_space<vmem>>, vector<1x16xf32>,
        %swap3A_472 = vector.shape_cast %swap3A_471 : vector<1x16xf32> to vector<16xf32>
        %swap3A_473 = vector.shape_cast %add3A_468 : vector<16xf32> to vector<1x16xf32>
        tpu.vector_store %arg10[%swap3A_469, %swap3A_470], %swap3A_473 {strides = array<i32>} : memref<64x128xf32, #tpu.memory_space<vmem>>, vector<1x16xf32>,
        %get3A_474 = arith.index_cast %add3A_405 : i32 to index
        %get3A_475 = arith.constant 80 : index
        %get3A_476 = tpu.vector_load %arg10[%get3A_474, %get3A_475] {strides = array<i32>} : memref<64x128xf32, #tpu.memory_space<vmem>>, vector<1x16xf32>,
        %get3A_477 = vector.shape_cast %get3A_476 : vector<1x16xf32> to vector<16xf32>
        %get3A_478 = arith.index_cast %add3A_405 : i32 to index
        %get3A_479 = arith.constant 80 : index
        %get3A_480 = tpu.vector_load %arg12[%get3A_478, %get3A_479] {strides = array<i32>} : memref<64x128xf32, #tpu.memory_space<vmem>>, vector<1x16xf32>,
        %get3A_481 = vector.shape_cast %get3A_480 : vector<1x16xf32> to vector<16xf32>
        %add3A_482 = arith.addf %get3A_477, %get3A_481 : vector<16xf32>
        %swap3A_483 = arith.index_cast %add3A_405 : i32 to index
        %swap3A_484 = arith.constant 80 : index
        %swap3A_485 = tpu.vector_load %arg10[%swap3A_483, %swap3A_484] {strides = array<i32>} : memref<64x128xf32, #tpu.memory_space<vmem>>, vector<1x16xf32>,
        %swap3A_486 = vector.shape_cast %swap3A_485 : vector<1x16xf32> to vector<16xf32>
        %swap3A_487 = vector.shape_cast %add3A_482 : vector<16xf32> to vector<1x16xf32>
        tpu.vector_store %arg10[%swap3A_483, %swap3A_484], %swap3A_487 {strides = array<i32>} : memref<64x128xf32, #tpu.memory_space<vmem>>, vector<1x16xf32>,
        %get3A_488 = arith.index_cast %add3A_405 : i32 to index
        %get3A_489 = arith.constant 96 : index
        %get3A_490 = tpu.vector_load %arg10[%get3A_488, %get3A_489] {strides = array<i32>} : memref<64x128xf32, #tpu.memory_space<vmem>>, vector<1x16xf32>,
        %get3A_491 = vector.shape_cast %get3A_490 : vector<1x16xf32> to vector<16xf32>
        %get3A_492 = arith.index_cast %add3A_405 : i32 to index
        %get3A_493 = arith.constant 96 : index
        %get3A_494 = tpu.vector_load %arg12[%get3A_492, %get3A_493] {strides = array<i32>} : memref<64x128xf32, #tpu.memory_space<vmem>>, vector<1x16xf32>,
        %get3A_495 = vector.shape_cast %get3A_494 : vector<1x16xf32> to vector<16xf32>
        %add3A_496 = arith.addf %get3A_491, %get3A_495 : vector<16xf32>
        %swap3A_497 = arith.index_cast %add3A_405 : i32 to index
        %swap3A_498 = arith.constant 96 : index
        %swap3A_499 = tpu.vector_load %arg10[%swap3A_497, %swap3A_498] {strides = array<i32>} : memref<64x128xf32, #tpu.memory_space<vmem>>, vector<1x16xf32>,
        %swap3A_500 = vector.shape_cast %swap3A_499 : vector<1x16xf32> to vector<16xf32>
        %swap3A_501 = vector.shape_cast %add3A_496 : vector<16xf32> to vector<1x16xf32>
        tpu.vector_store %arg10[%swap3A_497, %swap3A_498], %swap3A_501 {strides = array<i32>} : memref<64x128xf32, #tpu.memory_space<vmem>>, vector<1x16xf32>,
        %get3A_502 = arith.index_cast %add3A_405 : i32 to index
        %get3A_503 = arith.constant 112 : index
        %get3A_504 = tpu.vector_load %arg10[%get3A_502, %get3A_503] {strides = array<i32>} : memref<64x128xf32, #tpu.memory_space<vmem>>, vector<1x16xf32>,
        %get3A_505 = vector.shape_cast %get3A_504 : vector<1x16xf32> to vector<16xf32>
        %get3A_506 = arith.index_cast %add3A_405 : i32 to index
        %get3A_507 = arith.constant 112 : index
        %get3A_508 = tpu.vector_load %arg12[%get3A_506, %get3A_507] {strides = array<i32>} : memref<64x128xf32, #tpu.memory_space<vmem>>, vector<1x16xf32>,
        %get3A_509 = vector.shape_cast %get3A_508 : vector<1x16xf32> to vector<16xf32>
        %add3A_510 = arith.addf %get3A_505, %get3A_509 : vector<16xf32>
        %swap3A_511 = arith.index_cast %add3A_405 : i32 to index
        %swap3A_512 = arith.constant 112 : index
        %swap3A_513 = tpu.vector_load %arg10[%swap3A_511, %swap3A_512] {strides = array<i32>} : memref<64x128xf32, #tpu.memory_space<vmem>>, vector<1x16xf32>,
        %swap3A_514 = vector.shape_cast %swap3A_513 : vector<1x16xf32> to vector<16xf32>
        %swap3A_515 = vector.shape_cast %add3A_510 : vector<16xf32> to vector<1x16xf32>
        tpu.vector_store %arg10[%swap3A_511, %swap3A_512], %swap3A_515 {strides = array<i32>} : memref<64x128xf32, #tpu.memory_space<vmem>>, vector<1x16xf32>,
      }
      %scan3A_319 = arith.constant 64 : i32
      %dma_start3A_320 = arith.constant 0 : i32
      %dma_start3A_321 = arith.constant 0 : i32
      %dma_start3A_322 = tpu.memref_slice %arg8[%dma_start3A_320, %dma_start3A_321] : memref<4x64xi32, #tpu.memory_space<vmem>> -> memref<1x64xi32, #tpu.memory_space<vmem>>
      %dma_start3A_323 = tpu.memref_squeeze %dma_start3A_322 : memref<1x64xi32, #tpu.memory_space<vmem>> -> memref<64xi32, #tpu.memory_space<vmem>>
      %dma_start3A_324 = arith.constant 0 : i32
      %dma_start3A_325 = arith.constant 0 : i32
      %dma_start3A_326 = tpu.memref_slice %arg16[%dma_start3A_324, %dma_start3A_325] : memref<10064x128xf32, #tpu.memory_space<vmem_shared>> -> memref<10064x128xf32, #tpu.memory_space<vmem_shared>>
      tpu.enqueue_indirect_dma source(%arg10 : memref<64x128xf32, #tpu.memory_space<vmem>>) target(%dma_start3A_326 : memref<10064x128xf32, #tpu.memory_space<vmem_shared>>) offsets(%dma_start3A_323 : memref<64xi32, #tpu.memory_space<vmem>>) semaphore(%arg21 : memref<!tpu.dma_semaphore, #tpu.memory_space<semaphore_mem>>) {add = true}
      %mul3A_327 = arith.constant 4 : i32
      %mul3A_328 = arith.muli %mul3A_327, %add3A_107 : i32
      %add3A_329 = arith.constant 3 : i32
      %add3A_330 = arith.addi %mul3A_328, %add3A_329 : i32
      %dma_wait3A_331 = arith.constant 0 : i32
      %dma_wait3A_332 = arith.constant 0 : i32
      %dma_wait3A_333 = arith.constant 0 : i32
      %dma_wait3A_334 = tpu.memref_slice %arg2[%dma_wait3A_331, %dma_wait3A_332, %dma_wait3A_333] : memref<5120x4x64xi32, #tpu.memory_space<hbm>> -> memref<1x4x64xi32, #tpu.memory_space<hbm>>
      %dma_wait3A_335 = tpu.memref_squeeze %dma_wait3A_334 : memref<1x4x64xi32, #tpu.memory_space<hbm>> -> memref<4x64xi32, #tpu.memory_space<hbm>>
      %dma_wait3A_336 = arith.constant 0 : i32
      %dma_wait3A_337 = arith.constant 0 : i32
      %dma_wait3A_338 = tpu.memref_slice %arg2[%dma_wait3A_331, %dma_wait3A_336, %dma_wait3A_337] : memref<5120x4x64xi32, #tpu.memory_space<hbm>> -> memref<1x4x64xi32, #tpu.memory_space<hbm>>
      %dma_wait3A_339 = tpu.memref_squeeze %dma_wait3A_338 : memref<1x4x64xi32, #tpu.memory_space<hbm>> -> memref<4x64xi32, #tpu.memory_space<hbm>>
      tpu.wait_dma2 semaphore(%arg17 : memref<!tpu.dma_semaphore, #tpu.memory_space<semaphore_mem>>) src(%dma_wait3A_339 : memref<4x64xi32, #tpu.memory_space<hbm>>) dst(%arg6 : memref<4x64xi32, #tpu.memory_space<vmem>>)
      %scan3A_340 = arith.constant 0 : i32
      %scan3A_341 = arith.constant 4 : i32
      %scan3A_342 = arith.addi %scan3A_340, %scan3A_341 : i32
      %scan3A_343 = arith.constant 1 : i32
      scf.for %scan3A_401 = %scan3A_340 to %scan3A_342 step %scan3A_343  : i32 {
        %mul3A_402 = arith.constant 1 : i32
        %mul3A_403 = arith.muli %scan3A_401, %mul3A_402 : i32
        %add3A_404 = arith.constant 0 : i32
        %add3A_405 = arith.addi %add3A_404, %mul3A_403 : i32
        %mul3A_406 = arith.constant 16 : i32
        %mul3A_407 = arith.muli %add3A_405, %mul3A_406 : i32
        %get3A = arith.constant 2 : i32
        %get3A_408 = arith.index_cast %get3A : i32 to index
        %get3A_409 = arith.index_cast %mul3A_407 : i32 to index
        %get3A_410 = tpu.vector_load %arg6[%get3A_408, %get3A_409] {strides = array<i32>} : memref<4x64xi32, #tpu.memory_space<vmem>>, vector<1x16xi32>,
        %get3A_411 = vector.shape_cast %get3A_410 : vector<1x16xi32> to vector<16xi32>
        %mul3A_412 = arith.constant 3 : i32
        %mul3A_413 = vector.broadcast %mul3A_412 : i32 to vector<16xi32>
        %mul3A_414 = arith.muli %get3A_411, %mul3A_413 : vector<16xi32>
        %get3A_415 = arith.constant 3 : i32
        %get3A_416 = arith.index_cast %get3A_415 : i32 to index
        %get3A_417 = arith.index_cast %mul3A_407 : i32 to index
        %get3A_418 = tpu.vector_load %arg6[%get3A_416, %get3A_417] {strides = array<i32>} : memref<4x64xi32, #tpu.memory_space<vmem>>, vector<1x16xi32>,
        %get3A_419 = vector.shape_cast %get3A_418 : vector<1x16xi32> to vector<16xi32>
        %add3A_420 = arith.addi %mul3A_414, %get3A_419 : vector<16xi32>
        %add3A_421 = vector.broadcast %mul3A_31 : i32 to vector<16xi32>
        %add3A_422 = arith.addi %add3A_420, %add3A_421 : vector<16xi32>
        %swap3A = arith.index_cast %mul3A_407 : i32 to index
        %swap3A_423 = tpu.vector_load %arg14[%swap3A] {strides = array<i32>} : memref<64xi32, #tpu.memory_space<vmem>>, vector<16xi32>,
        %swap3A_424 = vector.shape_cast %swap3A_423 : vector<16xi32> to vector<16xi32>
        %swap3A_425 = vector.shape_cast %add3A_422 : vector<16xi32> to vector<16xi32>
        tpu.vector_store %arg14[%swap3A], %swap3A_425 {strides = array<i32>} : memref<64xi32, #tpu.memory_space<vmem>>, vector<16xi32>,
      }
      %scan3A_344 = arith.constant 4 : i32
      %dma_wait3A_345 = arith.constant 0 : i32
      %dma_wait3A_346 = arith.constant 0 : i32
      %dma_wait3A_347 = tpu.memref_slice %arg8[%dma_wait3A_345, %dma_wait3A_346] : memref<4x64xi32, #tpu.memory_space<vmem>> -> memref<1x64xi32, #tpu.memory_space<vmem>>
      %dma_wait3A_348 = tpu.memref_squeeze %dma_wait3A_347 : memref<1x64xi32, #tpu.memory_space<vmem>> -> memref<64xi32, #tpu.memory_space<vmem>>
      %dma_wait3A_349 = arith.constant 0 : i32
      %dma_wait3A_350 = arith.constant 0 : i32
      %dma_wait3A_351 = tpu.memref_slice %arg16[%dma_wait3A_349, %dma_wait3A_350] : memref<10064x128xf32, #tpu.memory_space<vmem_shared>> -> memref<10064x128xf32, #tpu.memory_space<vmem_shared>>
      tpu.wait_indirect_dma semaphore(%arg21 : memref<!tpu.dma_semaphore, #tpu.memory_space<semaphore_mem>>) src(%arg10 : memref<64x128xf32, #tpu.memory_space<vmem>>) dst(%dma_wait3A_351 : memref<10064x128xf32, #tpu.memory_space<vmem_shared>>)
      %dma_start3A_352 = arith.constant 1 : i32
      %dma_start3A_353 = arith.constant 0 : i32
      %dma_start3A_354 = tpu.memref_slice %arg6[%dma_start3A_352, %dma_start3A_353] : memref<4x64xi32, #tpu.memory_space<vmem>> -> memref<1x64xi32, #tpu.memory_space<vmem>>
      %dma_start3A_355 = tpu.memref_squeeze %dma_start3A_354 : memref<1x64xi32, #tpu.memory_space<vmem>> -> memref<64xi32, #tpu.memory_space<vmem>>
      %dma_start3A_356 = arith.constant 0 : i32
      %dma_start3A_357 = arith.constant 0 : i32
      %dma_start3A_358 = tpu.memref_slice %arg3[%dma_start3A_356, %dma_start3A_357] : memref<10000x128xf32, #tpu.memory_space<hbm>> -> memref<10000x128xf32, #tpu.memory_space<hbm>>
      tpu.enqueue_indirect_dma source(%dma_start3A_358 : memref<10000x128xf32, #tpu.memory_space<hbm>>) target(%arg10 : memref<64x128xf32, #tpu.memory_space<vmem>>) offsets(%dma_start3A_355 : memref<64xi32, #tpu.memory_space<vmem>>) semaphore(%arg19 : memref<!tpu.dma_semaphore, #tpu.memory_space<semaphore_mem>>)
      %dma_start3A_359 = arith.constant 0 : i32
      %dma_start3A_360 = arith.constant 0 : i32
      %dma_start3A_361 = tpu.memref_slice %arg4[%dma_start3A_359, %dma_start3A_360] : memref<512x128xf32, #tpu.memory_space<hbm>> -> memref<512x128xf32, #tpu.memory_space<hbm>>
      tpu.enqueue_indirect_dma source(%dma_start3A_361 : memref<512x128xf32, #tpu.memory_space<hbm>>) target(%arg12 : memref<64x128xf32, #tpu.memory_space<vmem>>) offsets(%arg14 : memref<64xi32, #tpu.memory_space<vmem>>) semaphore(%arg19 : memref<!tpu.dma_semaphore, #tpu.memory_space<semaphore_mem>>)
      %add3A_362 = arith.constant 2 : i32
      %add3A_363 = arith.addi %add3A_330, %add3A_362 : i32
      %min3A_364 = arith.constant 159 : i32
      %min3A_365 = arith.minsi %add3A_363, %min3A_364 : i32
      %mul3A_366 = arith.constant 32 : i32
      %mul3A_367 = arith.muli %min3A_365, %mul3A_366 : i32
      %add3A_368 = arith.addi %mul3A_367, %add3A : i32
      %dma_start3A_369 = arith.constant 0 : i32
      %dma_start3A_370 = arith.constant 0 : i32
      %dma_start3A_371 = tpu.memref_slice %arg2[%add3A_368, %dma_start3A_369, %dma_start3A_370] : memref<5120x4x64xi32, #tpu.memory_space<hbm>> -> memref<1x4x64xi32, #tpu.memory_space<hbm>>
      %dma_start3A_372 = tpu.memref_squeeze %dma_start3A_371 : memref<1x4x64xi32, #tpu.memory_space<hbm>> -> memref<4x64xi32, #tpu.memory_space<hbm>>
      %dma_start3A_373 = arith.constant 0 : i32
      %dma_start3A_374 = arith.constant 0 : i32
      %dma_start3A_375 = tpu.memref_slice %arg2[%add3A_368, %dma_start3A_373, %dma_start3A_374] : memref<5120x4x64xi32, #tpu.memory_space<hbm>> -> memref<1x4x64xi32, #tpu.memory_space<hbm>>
      %dma_start3A_376 = tpu.memref_squeeze %dma_start3A_375 : memref<1x4x64xi32, #tpu.memory_space<hbm>> -> memref<4x64xi32, #tpu.memory_space<hbm>>
      tpu.enqueue_dma source(%dma_start3A_376 : memref<4x64xi32, #tpu.memory_space<hbm>>) target(%arg7 : memref<4x64xi32, #tpu.memory_space<vmem>>) target_semaphore(%arg18 : memref<!tpu.dma_semaphore, #tpu.memory_space<semaphore_mem>>)
      %dma_wait3A_377 = arith.constant 0 : i32
      %dma_wait3A_378 = arith.constant 0 : i32
      %dma_wait3A_379 = tpu.memref_slice %arg3[%dma_wait3A_377, %dma_wait3A_378] : memref<10000x128xf32, #tpu.memory_space<hbm>> -> memref<64x128xf32, #tpu.memory_space<hbm>>
      %dma_wait3A_380 = arith.constant 0 : i32
      %dma_wait3A_381 = arith.constant 0 : i32
      %dma_wait3A_382 = tpu.memref_slice %arg3[%dma_wait3A_380, %dma_wait3A_381] : memref<10000x128xf32, #tpu.memory_space<hbm>> -> memref<64x128xf32, #tpu.memory_space<hbm>>
      tpu.wait_dma2 semaphore(%arg20 : memref<!tpu.dma_semaphore, #tpu.memory_space<semaphore_mem>>) src(%dma_wait3A_382 : memref<64x128xf32, #tpu.memory_space<hbm>>) dst(%arg11 : memref<64x128xf32, #tpu.memory_space<vmem>>)
      %dma_wait3A_383 = arith.constant 0 : i32
      %dma_wait3A_384 = arith.constant 0 : i32
      %dma_wait3A_385 = tpu.memref_slice %arg3[%dma_wait3A_383, %dma_wait3A_384] : memref<10000x128xf32, #tpu.memory_space<hbm>> -> memref<64x128xf32, #tpu.memory_space<hbm>>
      %dma_wait3A_386 = arith.constant 0 : i32
      %dma_wait3A_387 = arith.constant 0 : i32
      %dma_wait3A_388 = tpu.memref_slice %arg3[%dma_wait3A_386, %dma_wait3A_387] : memref<10000x128xf32, #tpu.memory_space<hbm>> -> memref<64x128xf32, #tpu.memory_space<hbm>>
      tpu.wait_dma2 semaphore(%arg20 : memref<!tpu.dma_semaphore, #tpu.memory_space<semaphore_mem>>) src(%dma_wait3A_388 : memref<64x128xf32, #tpu.memory_space<hbm>>) dst(%arg13 : memref<64x128xf32, #tpu.memory_space<vmem>>)
      %scan3A_389 = arith.constant 0 : i32
      %scan3A_390 = arith.constant 64 : i32
      %scan3A_391 = arith.addi %scan3A_389, %scan3A_390 : i32
      %scan3A_392 = arith.constant 1 : i32
      scf.for %scan3A_401 = %scan3A_389 to %scan3A_391 step %scan3A_392  : i32 {
        %mul3A_402 = arith.constant 1 : i32
        %mul3A_403 = arith.muli %scan3A_401, %mul3A_402 : i32
        %add3A_404 = arith.constant 0 : i32
        %add3A_405 = arith.addi %add3A_404, %mul3A_403 : i32
        %get3A = arith.index_cast %add3A_405 : i32 to index
        %get3A_406 = arith.constant 0 : index
        %get3A_407 = tpu.vector_load %arg11[%get3A, %get3A_406] {strides = array<i32>} : memref<64x128xf32, #tpu.memory_space<vmem>>, vector<1x16xf32>,
        %get3A_408 = vector.shape_cast %get3A_407 : vector<1x16xf32> to vector<16xf32>
        %get3A_409 = arith.index_cast %add3A_405 : i32 to index
        %get3A_410 = arith.constant 0 : index
        %get3A_411 = tpu.vector_load %arg13[%get3A_409, %get3A_410] {strides = array<i32>} : memref<64x128xf32, #tpu.memory_space<vmem>>, vector<1x16xf32>,
        %get3A_412 = vector.shape_cast %get3A_411 : vector<1x16xf32> to vector<16xf32>
        %add3A_413 = arith.addf %get3A_408, %get3A_412 : vector<16xf32>
        %swap3A = arith.index_cast %add3A_405 : i32 to index
        %swap3A_414 = arith.constant 0 : index
        %swap3A_415 = tpu.vector_load %arg11[%swap3A, %swap3A_414] {strides = array<i32>} : memref<64x128xf32, #tpu.memory_space<vmem>>, vector<1x16xf32>,
        %swap3A_416 = vector.shape_cast %swap3A_415 : vector<1x16xf32> to vector<16xf32>
        %swap3A_417 = vector.shape_cast %add3A_413 : vector<16xf32> to vector<1x16xf32>
        tpu.vector_store %arg11[%swap3A, %swap3A_414], %swap3A_417 {strides = array<i32>} : memref<64x128xf32, #tpu.memory_space<vmem>>, vector<1x16xf32>,
        %get3A_418 = arith.index_cast %add3A_405 : i32 to index
        %get3A_419 = arith.constant 16 : index
        %get3A_420 = tpu.vector_load %arg11[%get3A_418, %get3A_419] {strides = array<i32>} : memref<64x128xf32, #tpu.memory_space<vmem>>, vector<1x16xf32>,
        %get3A_421 = vector.shape_cast %get3A_420 : vector<1x16xf32> to vector<16xf32>
        %get3A_422 = arith.index_cast %add3A_405 : i32 to index
        %get3A_423 = arith.constant 16 : index
        %get3A_424 = tpu.vector_load %arg13[%get3A_422, %get3A_423] {strides = array<i32>} : memref<64x128xf32, #tpu.memory_space<vmem>>, vector<1x16xf32>,
        %get3A_425 = vector.shape_cast %get3A_424 : vector<1x16xf32> to vector<16xf32>
        %add3A_426 = arith.addf %get3A_421, %get3A_425 : vector<16xf32>
        %swap3A_427 = arith.index_cast %add3A_405 : i32 to index
        %swap3A_428 = arith.constant 16 : index
        %swap3A_429 = tpu.vector_load %arg11[%swap3A_427, %swap3A_428] {strides = array<i32>} : memref<64x128xf32, #tpu.memory_space<vmem>>, vector<1x16xf32>,
        %swap3A_430 = vector.shape_cast %swap3A_429 : vector<1x16xf32> to vector<16xf32>
        %swap3A_431 = vector.shape_cast %add3A_426 : vector<16xf32> to vector<1x16xf32>
        tpu.vector_store %arg11[%swap3A_427, %swap3A_428], %swap3A_431 {strides = array<i32>} : memref<64x128xf32, #tpu.memory_space<vmem>>, vector<1x16xf32>,
        %get3A_432 = arith.index_cast %add3A_405 : i32 to index
        %get3A_433 = arith.constant 32 : index
        %get3A_434 = tpu.vector_load %arg11[%get3A_432, %get3A_433] {strides = array<i32>} : memref<64x128xf32, #tpu.memory_space<vmem>>, vector<1x16xf32>,
        %get3A_435 = vector.shape_cast %get3A_434 : vector<1x16xf32> to vector<16xf32>
        %get3A_436 = arith.index_cast %add3A_405 : i32 to index
        %get3A_437 = arith.constant 32 : index
        %get3A_438 = tpu.vector_load %arg13[%get3A_436, %get3A_437] {strides = array<i32>} : memref<64x128xf32, #tpu.memory_space<vmem>>, vector<1x16xf32>,
        %get3A_439 = vector.shape_cast %get3A_438 : vector<1x16xf32> to vector<16xf32>
        %add3A_440 = arith.addf %get3A_435, %get3A_439 : vector<16xf32>
        %swap3A_441 = arith.index_cast %add3A_405 : i32 to index
        %swap3A_442 = arith.constant 32 : index
        %swap3A_443 = tpu.vector_load %arg11[%swap3A_441, %swap3A_442] {strides = array<i32>} : memref<64x128xf32, #tpu.memory_space<vmem>>, vector<1x16xf32>,
        %swap3A_444 = vector.shape_cast %swap3A_443 : vector<1x16xf32> to vector<16xf32>
        %swap3A_445 = vector.shape_cast %add3A_440 : vector<16xf32> to vector<1x16xf32>
        tpu.vector_store %arg11[%swap3A_441, %swap3A_442], %swap3A_445 {strides = array<i32>} : memref<64x128xf32, #tpu.memory_space<vmem>>, vector<1x16xf32>,
        %get3A_446 = arith.index_cast %add3A_405 : i32 to index
        %get3A_447 = arith.constant 48 : index
        %get3A_448 = tpu.vector_load %arg11[%get3A_446, %get3A_447] {strides = array<i32>} : memref<64x128xf32, #tpu.memory_space<vmem>>, vector<1x16xf32>,
        %get3A_449 = vector.shape_cast %get3A_448 : vector<1x16xf32> to vector<16xf32>
        %get3A_450 = arith.index_cast %add3A_405 : i32 to index
        %get3A_451 = arith.constant 48 : index
        %get3A_452 = tpu.vector_load %arg13[%get3A_450, %get3A_451] {strides = array<i32>} : memref<64x128xf32, #tpu.memory_space<vmem>>, vector<1x16xf32>,
        %get3A_453 = vector.shape_cast %get3A_452 : vector<1x16xf32> to vector<16xf32>
        %add3A_454 = arith.addf %get3A_449, %get3A_453 : vector<16xf32>
        %swap3A_455 = arith.index_cast %add3A_405 : i32 to index
        %swap3A_456 = arith.constant 48 : index
        %swap3A_457 = tpu.vector_load %arg11[%swap3A_455, %swap3A_456] {strides = array<i32>} : memref<64x128xf32, #tpu.memory_space<vmem>>, vector<1x16xf32>,
        %swap3A_458 = vector.shape_cast %swap3A_457 : vector<1x16xf32> to vector<16xf32>
        %swap3A_459 = vector.shape_cast %add3A_454 : vector<16xf32> to vector<1x16xf32>
        tpu.vector_store %arg11[%swap3A_455, %swap3A_456], %swap3A_459 {strides = array<i32>} : memref<64x128xf32, #tpu.memory_space<vmem>>, vector<1x16xf32>,
        %get3A_460 = arith.index_cast %add3A_405 : i32 to index
        %get3A_461 = arith.constant 64 : index
        %get3A_462 = tpu.vector_load %arg11[%get3A_460, %get3A_461] {strides = array<i32>} : memref<64x128xf32, #tpu.memory_space<vmem>>, vector<1x16xf32>,
        %get3A_463 = vector.shape_cast %get3A_462 : vector<1x16xf32> to vector<16xf32>
        %get3A_464 = arith.index_cast %add3A_405 : i32 to index
        %get3A_465 = arith.constant 64 : index
        %get3A_466 = tpu.vector_load %arg13[%get3A_464, %get3A_465] {strides = array<i32>} : memref<64x128xf32, #tpu.memory_space<vmem>>, vector<1x16xf32>,
        %get3A_467 = vector.shape_cast %get3A_466 : vector<1x16xf32> to vector<16xf32>
        %add3A_468 = arith.addf %get3A_463, %get3A_467 : vector<16xf32>
        %swap3A_469 = arith.index_cast %add3A_405 : i32 to index
        %swap3A_470 = arith.constant 64 : index
        %swap3A_471 = tpu.vector_load %arg11[%swap3A_469, %swap3A_470] {strides = array<i32>} : memref<64x128xf32, #tpu.memory_space<vmem>>, vector<1x16xf32>,
        %swap3A_472 = vector.shape_cast %swap3A_471 : vector<1x16xf32> to vector<16xf32>
        %swap3A_473 = vector.shape_cast %add3A_468 : vector<16xf32> to vector<1x16xf32>
        tpu.vector_store %arg11[%swap3A_469, %swap3A_470], %swap3A_473 {strides = array<i32>} : memref<64x128xf32, #tpu.memory_space<vmem>>, vector<1x16xf32>,
        %get3A_474 = arith.index_cast %add3A_405 : i32 to index
        %get3A_475 = arith.constant 80 : index
        %get3A_476 = tpu.vector_load %arg11[%get3A_474, %get3A_475] {strides = array<i32>} : memref<64x128xf32, #tpu.memory_space<vmem>>, vector<1x16xf32>,
        %get3A_477 = vector.shape_cast %get3A_476 : vector<1x16xf32> to vector<16xf32>
        %get3A_478 = arith.index_cast %add3A_405 : i32 to index
        %get3A_479 = arith.constant 80 : index
        %get3A_480 = tpu.vector_load %arg13[%get3A_478, %get3A_479] {strides = array<i32>} : memref<64x128xf32, #tpu.memory_space<vmem>>, vector<1x16xf32>,
        %get3A_481 = vector.shape_cast %get3A_480 : vector<1x16xf32> to vector<16xf32>
        %add3A_482 = arith.addf %get3A_477, %get3A_481 : vector<16xf32>
        %swap3A_483 = arith.index_cast %add3A_405 : i32 to index
        %swap3A_484 = arith.constant 80 : index
        %swap3A_485 = tpu.vector_load %arg11[%swap3A_483, %swap3A_484] {strides = array<i32>} : memref<64x128xf32, #tpu.memory_space<vmem>>, vector<1x16xf32>,
        %swap3A_486 = vector.shape_cast %swap3A_485 : vector<1x16xf32> to vector<16xf32>
        %swap3A_487 = vector.shape_cast %add3A_482 : vector<16xf32> to vector<1x16xf32>
        tpu.vector_store %arg11[%swap3A_483, %swap3A_484], %swap3A_487 {strides = array<i32>} : memref<64x128xf32, #tpu.memory_space<vmem>>, vector<1x16xf32>,
        %get3A_488 = arith.index_cast %add3A_405 : i32 to index
        %get3A_489 = arith.constant 96 : index
        %get3A_490 = tpu.vector_load %arg11[%get3A_488, %get3A_489] {strides = array<i32>} : memref<64x128xf32, #tpu.memory_space<vmem>>, vector<1x16xf32>,
        %get3A_491 = vector.shape_cast %get3A_490 : vector<1x16xf32> to vector<16xf32>
        %get3A_492 = arith.index_cast %add3A_405 : i32 to index
        %get3A_493 = arith.constant 96 : index
        %get3A_494 = tpu.vector_load %arg13[%get3A_492, %get3A_493] {strides = array<i32>} : memref<64x128xf32, #tpu.memory_space<vmem>>, vector<1x16xf32>,
        %get3A_495 = vector.shape_cast %get3A_494 : vector<1x16xf32> to vector<16xf32>
        %add3A_496 = arith.addf %get3A_491, %get3A_495 : vector<16xf32>
        %swap3A_497 = arith.index_cast %add3A_405 : i32 to index
        %swap3A_498 = arith.constant 96 : index
        %swap3A_499 = tpu.vector_load %arg11[%swap3A_497, %swap3A_498] {strides = array<i32>} : memref<64x128xf32, #tpu.memory_space<vmem>>, vector<1x16xf32>,
        %swap3A_500 = vector.shape_cast %swap3A_499 : vector<1x16xf32> to vector<16xf32>
        %swap3A_501 = vector.shape_cast %add3A_496 : vector<16xf32> to vector<1x16xf32>
        tpu.vector_store %arg11[%swap3A_497, %swap3A_498], %swap3A_501 {strides = array<i32>} : memref<64x128xf32, #tpu.memory_space<vmem>>, vector<1x16xf32>,
        %get3A_502 = arith.index_cast %add3A_405 : i32 to index
        %get3A_503 = arith.constant 112 : index
        %get3A_504 = tpu.vector_load %arg11[%get3A_502, %get3A_503] {strides = array<i32>} : memref<64x128xf32, #tpu.memory_space<vmem>>, vector<1x16xf32>,
        %get3A_505 = vector.shape_cast %get3A_504 : vector<1x16xf32> to vector<16xf32>
        %get3A_506 = arith.index_cast %add3A_405 : i32 to index
        %get3A_507 = arith.constant 112 : index
        %get3A_508 = tpu.vector_load %arg13[%get3A_506, %get3A_507] {strides = array<i32>} : memref<64x128xf32, #tpu.memory_space<vmem>>, vector<1x16xf32>,
        %get3A_509 = vector.shape_cast %get3A_508 : vector<1x16xf32> to vector<16xf32>
        %add3A_510 = arith.addf %get3A_505, %get3A_509 : vector<16xf32>
        %swap3A_511 = arith.index_cast %add3A_405 : i32 to index
        %swap3A_512 = arith.constant 112 : index
        %swap3A_513 = tpu.vector_load %arg11[%swap3A_511, %swap3A_512] {strides = array<i32>} : memref<64x128xf32, #tpu.memory_space<vmem>>, vector<1x16xf32>,
        %swap3A_514 = vector.shape_cast %swap3A_513 : vector<1x16xf32> to vector<16xf32>
        %swap3A_515 = vector.shape_cast %add3A_510 : vector<16xf32> to vector<1x16xf32>
        tpu.vector_store %arg11[%swap3A_511, %swap3A_512], %swap3A_515 {strides = array<i32>} : memref<64x128xf32, #tpu.memory_space<vmem>>, vector<1x16xf32>,
      }
      %scan3A_393 = arith.constant 64 : i32
      %dma_start3A_394 = arith.constant 0 : i32
      %dma_start3A_395 = arith.constant 0 : i32
      %dma_start3A_396 = tpu.memref_slice %arg9[%dma_start3A_394, %dma_start3A_395] : memref<4x64xi32, #tpu.memory_space<vmem>> -> memref<1x64xi32, #tpu.memory_space<vmem>>
      %dma_start3A_397 = tpu.memref_squeeze %dma_start3A_396 : memref<1x64xi32, #tpu.memory_space<vmem>> -> memref<64xi32, #tpu.memory_space<vmem>>
      %dma_start3A_398 = arith.constant 0 : i32
      %dma_start3A_399 = arith.constant 0 : i32
      %dma_start3A_400 = tpu.memref_slice %arg16[%dma_start3A_398, %dma_start3A_399] : memref<10064x128xf32, #tpu.memory_space<vmem_shared>> -> memref<10064x128xf32, #tpu.memory_space<vmem_shared>>
      tpu.enqueue_indirect_dma source(%arg11 : memref<64x128xf32, #tpu.memory_space<vmem>>) target(%dma_start3A_400 : memref<10064x128xf32, #tpu.memory_space<vmem_shared>>) offsets(%dma_start3A_397 : memref<64xi32, #tpu.memory_space<vmem>>) semaphore(%arg22 : memref<!tpu.dma_semaphore, #tpu.memory_space<semaphore_mem>>) {add = true}
    }
    %scan3A_69 = arith.constant 40 : i32
    %dma_wait3A = arith.constant 0 : i32
    %dma_wait3A_70 = arith.constant 0 : i32
    %dma_wait3A_71 = arith.constant 0 : i32
    %dma_wait3A_72 = tpu.memref_slice %arg2[%dma_wait3A, %dma_wait3A_70, %dma_wait3A_71] : memref<5120x4x64xi32, #tpu.memory_space<hbm>> -> memref<1x4x64xi32, #tpu.memory_space<hbm>>
    %dma_wait3A_73 = tpu.memref_squeeze %dma_wait3A_72 : memref<1x4x64xi32, #tpu.memory_space<hbm>> -> memref<4x64xi32, #tpu.memory_space<hbm>>
    %dma_wait3A_74 = arith.constant 0 : i32
    %dma_wait3A_75 = arith.constant 0 : i32
    %dma_wait3A_76 = tpu.memref_slice %arg2[%dma_wait3A, %dma_wait3A_74, %dma_wait3A_75] : memref<5120x4x64xi32, #tpu.memory_space<hbm>> -> memref<1x4x64xi32, #tpu.memory_space<hbm>>
    %dma_wait3A_77 = tpu.memref_squeeze %dma_wait3A_76 : memref<1x4x64xi32, #tpu.memory_space<hbm>> -> memref<4x64xi32, #tpu.memory_space<hbm>>
    tpu.wait_dma2 semaphore(%arg18 : memref<!tpu.dma_semaphore, #tpu.memory_space<semaphore_mem>>) src(%dma_wait3A_77 : memref<4x64xi32, #tpu.memory_space<hbm>>) dst(%arg6 : memref<4x64xi32, #tpu.memory_space<vmem>>)
    %dma_wait3A_78 = arith.constant 0 : i32
    %dma_wait3A_79 = arith.constant 0 : i32
    %dma_wait3A_80 = tpu.memref_slice %arg3[%dma_wait3A_78, %dma_wait3A_79] : memref<10000x128xf32, #tpu.memory_space<hbm>> -> memref<64x128xf32, #tpu.memory_space<hbm>>
    %dma_wait3A_81 = arith.constant 0 : i32
    %dma_wait3A_82 = arith.constant 0 : i32
    %dma_wait3A_83 = tpu.memref_slice %arg3[%dma_wait3A_81, %dma_wait3A_82] : memref<10000x128xf32, #tpu.memory_space<hbm>> -> memref<64x128xf32, #tpu.memory_space<hbm>>
    tpu.wait_dma2 semaphore(%arg19 : memref<!tpu.dma_semaphore, #tpu.memory_space<semaphore_mem>>) src(%dma_wait3A_83 : memref<64x128xf32, #tpu.memory_space<hbm>>) dst(%arg10 : memref<64x128xf32, #tpu.memory_space<vmem>>)
    %dma_wait3A_84 = arith.constant 0 : i32
    %dma_wait3A_85 = arith.constant 0 : i32
    %dma_wait3A_86 = tpu.memref_slice %arg3[%dma_wait3A_84, %dma_wait3A_85] : memref<10000x128xf32, #tpu.memory_space<hbm>> -> memref<64x128xf32, #tpu.memory_space<hbm>>
    %dma_wait3A_87 = arith.constant 0 : i32
    %dma_wait3A_88 = arith.constant 0 : i32
    %dma_wait3A_89 = tpu.memref_slice %arg3[%dma_wait3A_87, %dma_wait3A_88] : memref<10000x128xf32, #tpu.memory_space<hbm>> -> memref<64x128xf32, #tpu.memory_space<hbm>>
    tpu.wait_dma2 semaphore(%arg19 : memref<!tpu.dma_semaphore, #tpu.memory_space<semaphore_mem>>) src(%dma_wait3A_89 : memref<64x128xf32, #tpu.memory_space<hbm>>) dst(%arg12 : memref<64x128xf32, #tpu.memory_space<vmem>>)
    %dma_wait3A_90 = arith.constant 0 : i32
    %dma_wait3A_91 = arith.constant 0 : i32
    %dma_wait3A_92 = tpu.memref_slice %arg9[%dma_wait3A_90, %dma_wait3A_91] : memref<4x64xi32, #tpu.memory_space<vmem>> -> memref<1x64xi32, #tpu.memory_space<vmem>>
    %dma_wait3A_93 = tpu.memref_squeeze %dma_wait3A_92 : memref<1x64xi32, #tpu.memory_space<vmem>> -> memref<64xi32, #tpu.memory_space<vmem>>
    %dma_wait3A_94 = arith.constant 0 : i32
    %dma_wait3A_95 = arith.constant 0 : i32
    %dma_wait3A_96 = tpu.memref_slice %arg16[%dma_wait3A_94, %dma_wait3A_95] : memref<10064x128xf32, #tpu.memory_space<vmem_shared>> -> memref<10064x128xf32, #tpu.memory_space<vmem_shared>>
    tpu.wait_indirect_dma semaphore(%arg22 : memref<!tpu.dma_semaphore, #tpu.memory_space<semaphore_mem>>) src(%arg11 : memref<64x128xf32, #tpu.memory_space<vmem>>) dst(%dma_wait3A_96 : memref<10064x128xf32, #tpu.memory_space<vmem_shared>>)
    %barrier3A_97 = arith.constant 0 : index
    tpu.barrier barrier_id(%barrier3A_97)
    "tpu.region"() ({
      %run_scoped3A = tpu.sem_alloc : memref<!tpu.dma_semaphore, #tpu.memory_space<semaphore_mem>>
      %dma_start3A_103 = arith.constant 0 : i32
      %dma_start3A_104 = tpu.memref_slice %arg5[%arg0, %mul3A_7, %dma_start3A_103] : memref<2x10000x128xf32, #tpu.memory_space<hbm>> -> memref<1x624x128xf32, #tpu.memory_space<hbm>>
      %dma_start3A_105 = tpu.memref_squeeze %dma_start3A_104 : memref<1x624x128xf32, #tpu.memory_space<hbm>> -> memref<624x128xf32, #tpu.memory_space<hbm>>
      %dma_start3A_106 = arith.constant 0 : i32
      %dma_start3A_107 = tpu.memref_slice %arg16[%mul3A_7, %dma_start3A_106] : memref<10064x128xf32, #tpu.memory_space<vmem_shared>> -> memref<624x128xf32, #tpu.memory_space<vmem_shared>>
      tpu.enqueue_dma source(%dma_start3A_107 : memref<624x128xf32, #tpu.memory_space<vmem_shared>>) target(%dma_start3A_105 : memref<624x128xf32, #tpu.memory_space<hbm>>) target_semaphore(%run_scoped3A : memref<!tpu.dma_semaphore, #tpu.memory_space<semaphore_mem>>)
      %dma_wait3A_108 = arith.constant 0 : i32
      %dma_wait3A_109 = tpu.memref_slice %arg5[%arg0, %mul3A_7, %dma_wait3A_108] : memref<2x10000x128xf32, #tpu.memory_space<hbm>> -> memref<1x624x128xf32, #tpu.memory_space<hbm>>
      %dma_wait3A_110 = tpu.memref_squeeze %dma_wait3A_109 : memref<1x624x128xf32, #tpu.memory_space<hbm>> -> memref<624x128xf32, #tpu.memory_space<hbm>>
      %dma_wait3A_111 = arith.constant 0 : i32
      %dma_wait3A_112 = tpu.memref_slice %arg16[%mul3A_7, %dma_wait3A_111] : memref<10064x128xf32, #tpu.memory_space<vmem_shared>> -> memref<624x128xf32, #tpu.memory_space<vmem_shared>>
      tpu.wait_dma2 semaphore(%run_scoped3A : memref<!tpu.dma_semaphore, #tpu.memory_space<semaphore_mem>>) src(%dma_wait3A_112 : memref<624x128xf32, #tpu.memory_space<vmem_shared>>) dst(%dma_wait3A_110 : memref<624x128xf32, #tpu.memory_space<hbm>>)
      tpu.yield
    }) : () -> ()
    %eq3A_98 = arith.constant 15 : i32
    %eq3A_99 = arith.cmpi eq, %arg1, %eq3A_98 : i32
    %convert_element_type3A_100 = arith.extui %eq3A_99 : i1 to i32
    %cond3A_101 = arith.constant 0 : i32
    %cond3A_102 = arith.cmpi ne, %convert_element_type3A_100, %cond3A_101 : i32
    scf.if %cond3A_102 {
      "tpu.region"() ({
        %run_scoped3A = tpu.sem_alloc : memref<!tpu.dma_semaphore, #tpu.memory_space<semaphore_mem>>
        %dma_start3A_103 = arith.constant 9984 : i32
        %dma_start3A_104 = arith.constant 0 : i32
        %dma_start3A_105 = tpu.memref_slice %arg5[%arg0, %dma_start3A_103, %dma_start3A_104] : memref<2x10000x128xf32, #tpu.memory_space<hbm>> -> memref<1x16x128xf32, #tpu.memory_space<hbm>>
        %dma_start3A_106 = tpu.memref_squeeze %dma_start3A_105 : memref<1x16x128xf32, #tpu.memory_space<hbm>> -> memref<16x128xf32, #tpu.memory_space<hbm>>
        %dma_start3A_107 = arith.constant 9984 : i32
        %dma_start3A_108 = arith.constant 0 : i32
        %dma_start3A_109 = tpu.memref_slice %arg16[%dma_start3A_107, %dma_start3A_108] : memref<10064x128xf32, #tpu.memory_space<vmem_shared>> -> memref<16x128xf32, #tpu.memory_space<vmem_shared>>
        tpu.enqueue_dma source(%dma_start3A_109 : memref<16x128xf32, #tpu.memory_space<vmem_shared>>) target(%dma_start3A_106 : memref<16x128xf32, #tpu.memory_space<hbm>>) target_semaphore(%run_scoped3A : memref<!tpu.dma_semaphore, #tpu.memory_space<semaphore_mem>>)
        %dma_wait3A_110 = arith.constant 9984 : i32
        %dma_wait3A_111 = arith.constant 0 : i32
        %dma_wait3A_112 = tpu.memref_slice %arg5[%arg0, %dma_wait3A_110, %dma_wait3A_111] : memref<2x10000x128xf32, #tpu.memory_space<hbm>> -> memref<1x16x128xf32, #tpu.memory_space<hbm>>
        %dma_wait3A_113 = tpu.memref_squeeze %dma_wait3A_112 : memref<1x16x128xf32, #tpu.memory_space<hbm>> -> memref<16x128xf32, #tpu.memory_space<hbm>>
        %dma_wait3A_114 = arith.constant 9984 : i32
        %dma_wait3A_115 = arith.constant 0 : i32
        %dma_wait3A_116 = tpu.memref_slice %arg16[%dma_wait3A_114, %dma_wait3A_115] : memref<10064x128xf32, #tpu.memory_space<vmem_shared>> -> memref<16x128xf32, #tpu.memory_space<vmem_shared>>
        tpu.wait_dma2 semaphore(%run_scoped3A : memref<!tpu.dma_semaphore, #tpu.memory_space<semaphore_mem>>) src(%dma_wait3A_116 : memref<16x128xf32, #tpu.memory_space<vmem_shared>>) dst(%dma_wait3A_113 : memref<16x128xf32, #tpu.memory_space<hbm>>)
        tpu.yield
      }) : () -> ()
    } else {
    }
    return
  }
}

module attributes {stable_mosaic.version = 14 : i64} {
  func.func @_mlp_body(%arg0: i32, %arg1: memref<2x2000x128xf32, #tpu.memory_space<vmem>>, %arg2: memref<2000x128xf32, #tpu.memory_space<vmem>>, %arg3: memref<5x128xf32, #tpu.memory_space<vmem>>, %arg4: memref<3x128xf32, #tpu.memory_space<vmem>>, %arg5: memref<128x256xf32, #tpu.memory_space<vmem>>, %arg6: memref<1x256xf32, #tpu.memory_space<vmem>>, %arg7: memref<256x128xf32, #tpu.memory_space<vmem>>, %arg8: memref<1x128xf32, #tpu.memory_space<vmem>>, %arg9: memref<2000x128xf32, #tpu.memory_space<vmem>>) attributes {dimension_semantics = [#tpu.dimension_semantics<arbitrary>], iteration_bounds = array<i64: 5>, scalar_prefetch = 0 : i64, scratch_operands = 0 : i64, tpu.core_type = #tpu.core_type<tc>, window_params = [{transform_indices = @transform_0, window_bounds = array<i64: 2, 2000, 128>}, {transform_indices = @transform_1, window_bounds = array<i64: 2000, 128>}, {pipeline_mode = #tpu.pipeline_mode<synchronous>, transform_indices = @transform_2, window_bounds = array<i64: 5, 128>}, {pipeline_mode = #tpu.pipeline_mode<synchronous>, transform_indices = @transform_3, window_bounds = array<i64: 3, 128>}, {pipeline_mode = #tpu.pipeline_mode<synchronous>, transform_indices = @transform_4, window_bounds = array<i64: 128, 256>}, {pipeline_mode = #tpu.pipeline_mode<synchronous>, transform_indices = @transform_5, window_bounds = array<i64: 1, 256>}, {pipeline_mode = #tpu.pipeline_mode<synchronous>, transform_indices = @transform_6, window_bounds = array<i64: 256, 128>}, {pipeline_mode = #tpu.pipeline_mode<synchronous>, transform_indices = @transform_7, window_bounds = array<i64: 1, 128>}, {transform_indices = @transform_8, window_bounds = array<i64: 2000, 128>}]} {
    %get3A = arith.constant 4 : index
    %get3A_0 = arith.constant 0 : index
    %get3A_1 = vector.load %arg3[%get3A, %get3A_0] : memref<5x128xf32, #tpu.memory_space<vmem>>, vector<1x128xf32>
    %get3A_2 = arith.constant 0 : index
    %get3A_3 = arith.constant 0 : index
    %get3A_4 = vector.load %arg4[%get3A_2, %get3A_3] : memref<3x128xf32, #tpu.memory_space<vmem>>, vector<1x128xf32>
    %add3A = arith.addf %get3A_1, %get3A_4 : vector<1x128xf32>
    %get3A_5 = arith.constant 0 : index
    %get3A_6 = arith.constant 0 : index
    %get3A_7 = arith.constant 0 : index
    %get3A_8 = vector.load %arg1[%get3A_5, %get3A_6, %get3A_7] : memref<2x2000x128xf32, #tpu.memory_space<vmem>>, vector<1x2000x128xf32>
    %get3A_9 = vector.shape_cast %get3A_8 : vector<1x2000x128xf32> to vector<2000x128xf32>
    %get3A_10 = arith.constant 1 : index
    %get3A_11 = arith.constant 0 : index
    %get3A_12 = arith.constant 0 : index
    %get3A_13 = vector.load %arg1[%get3A_10, %get3A_11, %get3A_12] : memref<2x2000x128xf32, #tpu.memory_space<vmem>>, vector<1x2000x128xf32>
    %get3A_14 = vector.shape_cast %get3A_13 : vector<1x2000x128xf32> to vector<2000x128xf32>
    %add3A_15 = arith.addf %get3A_9, %get3A_14 : vector<2000x128xf32>
    %get3A_16 = arith.constant 0 : index
    %get3A_17 = arith.constant 0 : index
    %get3A_18 = vector.load %arg2[%get3A_16, %get3A_17] : memref<2000x128xf32, #tpu.memory_space<vmem>>, vector<2000x128xf32>
    %add3A_19 = arith.addf %add3A_15, %get3A_18 : vector<2000x128xf32>
    %add3A_20 = vector.broadcast %add3A : vector<1x128xf32> to vector<2000x128xf32>
    %add3A_21 = arith.addf %add3A_19, %add3A_20 : vector<2000x128xf32>
    %get3A_22 = arith.constant 0 : index
    %get3A_23 = arith.constant 0 : index
    %get3A_24 = vector.load %arg5[%get3A_22, %get3A_23] : memref<128x256xf32, #tpu.memory_space<vmem>>, vector<128x256xf32>
    %dot_general3A = arith.constant dense<0.000000e+00> : vector<2000x256xf32>
    %dot_general3A_25 = tpu.matmul %add3A_21, %get3A_24, %dot_general3A {dimension_numbers = #tpu.dot_dimension_numbers<[1], [0], [0], [1], [0, 0, 1, 1], [], []>, transpose_lhs_hint = false} : vector<2000x128xf32>, vector<128x256xf32>, vector<2000x256xf32> -> vector<2000x256xf32>
    %get3A_26 = arith.constant 0 : index
    %get3A_27 = arith.constant 0 : index
    %get3A_28 = vector.load %arg6[%get3A_26, %get3A_27] : memref<1x256xf32, #tpu.memory_space<vmem>>, vector<1x256xf32>
    %add3A_29 = vector.broadcast %get3A_28 : vector<1x256xf32> to vector<2000x256xf32>
    %add3A_30 = arith.addf %dot_general3A_25, %add3A_29 : vector<2000x256xf32>
    %max3A = arith.constant 0.000000e+00 : f32
    %max3A_31 = vector.broadcast %max3A : f32 to vector<2000x256xf32>
    %max3A_32 = arith.maximumf %add3A_30, %max3A_31 : vector<2000x256xf32>
    %get3A_33 = arith.constant 0 : index
    %get3A_34 = arith.constant 0 : index
    %get3A_35 = vector.load %arg7[%get3A_33, %get3A_34] : memref<256x128xf32, #tpu.memory_space<vmem>>, vector<256x128xf32>
    %dot_general3A_36 = arith.constant dense<0.000000e+00> : vector<2000x128xf32>
    %dot_general3A_37 = tpu.matmul %max3A_32, %get3A_35, %dot_general3A_36 {dimension_numbers = #tpu.dot_dimension_numbers<[1], [0], [0], [1], [0, 0, 1, 1], [], []>, transpose_lhs_hint = false} : vector<2000x256xf32>, vector<256x128xf32>, vector<2000x128xf32> -> vector<2000x128xf32>
    %get3A_38 = arith.constant 0 : index
    %get3A_39 = arith.constant 0 : index
    %get3A_40 = vector.load %arg8[%get3A_38, %get3A_39] : memref<1x128xf32, #tpu.memory_space<vmem>>, vector<1x128xf32>
    %add3A_41 = vector.broadcast %get3A_40 : vector<1x128xf32> to vector<2000x128xf32>
    %add3A_42 = arith.addf %dot_general3A_37, %add3A_41 : vector<2000x128xf32>
    %swap3A = arith.constant 0 : index
    %swap3A_43 = arith.constant 0 : index
    %swap3A_44 = vector.load %arg9[%swap3A, %swap3A_43] : memref<2000x128xf32, #tpu.memory_space<vmem>>, vector<2000x128xf32>
    tpu.vector_store %arg9[%swap3A, %swap3A_43], %add3A_42 {strides = array<i32>} : memref<2000x128xf32, #tpu.memory_space<vmem>>, vector<2000x128xf32>,
    return
  }
  func.func @transform_0(%arg0: i32) -> (i32, i32, i32) {
    %c0_i32 = arith.constant 0 : i32
    %c0_i32_0 = arith.constant 0 : i32
    %c0_i32_1 = arith.constant 0 : i32
    return %c0_i32, %arg0, %c0_i32_0 : i32, i32, i32
  }
  func.func @transform_1(%arg0: i32) -> (i32, i32) {
    %c0_i32 = arith.constant 0 : i32
    %c0_i32_0 = arith.constant 0 : i32
    return %arg0, %c0_i32 : i32, i32
  }
  func.func @transform_2(%arg0: i32) -> (i32, i32) {
    %c0_i32 = arith.constant 0 : i32
    %c0_i32_0 = arith.constant 0 : i32
    %c0_i32_1 = arith.constant 0 : i32
    return %c0_i32, %c0_i32_0 : i32, i32
  }
  func.func @transform_3(%arg0: i32) -> (i32, i32) {
    %c0_i32 = arith.constant 0 : i32
    %c0_i32_0 = arith.constant 0 : i32
    %c0_i32_1 = arith.constant 0 : i32
    return %c0_i32, %c0_i32_0 : i32, i32
  }
  func.func @transform_4(%arg0: i32) -> (i32, i32) {
    %c0_i32 = arith.constant 0 : i32
    %c0_i32_0 = arith.constant 0 : i32
    %c0_i32_1 = arith.constant 0 : i32
    return %c0_i32, %c0_i32_0 : i32, i32
  }
  func.func @transform_5(%arg0: i32) -> (i32, i32) {
    %c0_i32 = arith.constant 0 : i32
    %c0_i32_0 = arith.constant 0 : i32
    %c0_i32_1 = arith.constant 0 : i32
    return %c0_i32, %c0_i32_0 : i32, i32
  }
  func.func @transform_6(%arg0: i32) -> (i32, i32) {
    %c0_i32 = arith.constant 0 : i32
    %c0_i32_0 = arith.constant 0 : i32
    %c0_i32_1 = arith.constant 0 : i32
    return %c0_i32, %c0_i32_0 : i32, i32
  }
  func.func @transform_7(%arg0: i32) -> (i32, i32) {
    %c0_i32 = arith.constant 0 : i32
    %c0_i32_0 = arith.constant 0 : i32
    %c0_i32_1 = arith.constant 0 : i32
    return %c0_i32, %c0_i32_0 : i32, i32
  }
  func.func @transform_8(%arg0: i32) -> (i32, i32) {
    %c0_i32 = arith.constant 0 : i32
    %c0_i32_0 = arith.constant 0 : i32
    return %arg0, %c0_i32 : i32, i32
  }
}

</mosaic_0001>

<sc_bundles>
// kernel: kernel.4.cloned.1.call-start
scs
__scs_entry_jumppad:
0x0: {  	(pc) =	sbr.rel $0x88, $3  }
0x1: {  	(tag) =	ssettag $0x0;
	lr =	simm.s32 $0x1  }
0x2: {  	[smem:$0x3F98] =	sst lr;
	_ =	strace $0xD0000000  }
0x3: {  	_ = 	snop  }
0x4: {  	_ = 	snop  }
0x5: {  	_ = 	snop  }
0x6: {  	_ = 	snop  }
0x7: {  	_ = 	snop  }
__scs_overlays_trampoline_lowered:
0x8: {  	[smem:$0x3FA7] =	sst s0  }
0x9: {  	[smem:$0x3FA8] =	sst s1  }
0xa: {  	[smem:$0x3FA9] =	sst s2  }
0xb: {  	[smem:$0x3FAA] =	sst s3  }
0xc: {  	[smem:$0x3FAB] =	sst s4  }
0xd: {  	[smem:$0x3FAC] =	sst s5  }
0xe: {  	[smem:$0x3FAD] =	sst s6  }
0xf: {  	[smem:$0x3FAE] =	sst s7  }
0x10: {  	[smem:$0x3FAF] =	sst s8  }
0x11: {  	[smem:$0x3FB0] =	sst s9;
	s0 =	simm.s32 @!p0 $0x0  }
0x12: {  	s1 =	sld [smem:$0x3F96];
	s0 =	simm.s32 @p0 $0x1  }
0x13: {  	[smem:$0x3FB1] =	sst s0;
	s0 =	simm.s32 @!p1 $0x0  }
0x14: {  	s2 =	sld [smem:$0x3F95];
	s0 =	simm.s32 @p1 $0x1  }
0x15: {  	[smem:$0x3FB2] =	sst s0;
	s0 =	simm.s32 @!p2 $0x0  }
0x16: {  	s3 =	sld [smem:$0x3FDB];
	s0 =	simm.s32 @p2 $0x1  }
0x17: {  	s4 =	simm.s32 $0x1BF5;
	[smem:$0x3FB4] =	sst s0  }
0x18: {  	s0 =	sld [smem:$0x3F97];
	_ =	swait.ge [sflag:s4], $0x0  }
0x19: {  	s7 =	sld [smem:$0x3F98]  }
0x1a: {  	s8 =	sadd.s32 $0xFFFFE003, lr  }
0x1b: {  	s9 =	sadd.s32 $0xFFFFFEF7, lr;
	s5 =	simm.s32 $0xFFFFFFFF;
	p2 =	slt.u32 s8, $0xFFFFF086  }
0x1c: {  	p1 =	slt.u32 s9, $0xF7A;
	s5 =	simm.s32 @!p2 $0x0  }
0x1d: {  	s5 =	simm.s32 @p1 $0x1;
	p0 =	seq.s32 s7, s2  }
0x1e: {  	s7 =	smul.u32 @!p0 $0xF7A, s2;
	p2 =	seq.s32 @!p0 s5, $0x0  }
0x1f: {  	s9 =	smul.u32 $0xF7A, s1;
	s8 =	simm.s32 @!p0 $0x1BF5;
	p2 =	por !p2, p0  }
0x20: {  	[sflag:s8] =	ssyncset.s32 @!p0 $0xFFFFF086;
	s6 =	sadd.s32 @!p0 s3, s7;
	s7 =	simm.s32 @!p0 $0x108  }
0x21: {  	s3 =	sadd.s32 s3, s9;
	s6 =	sadd.s32 @!p0 $0x88, s6;
	s7 =	simm.s32 @p2 $0x1082  }
0x22: {  	[simem:s7], [sflag:s8] =	dma.local @!p0 [hbm:s6], $0xF7A  }
0x23: {  	s9 =	sor.u32 $0xD0000000, s2;
	s6 =	simm.s32 $0x108;
	_ =	swait.ge @!p0 [sflag:s8], $0x0  }
0x24: {  	s3 =	sadd.s32 $0x88, s3;
	s6 =	simm.s32 @!p1 $0x1082;
	[sflag:s4] =	ssyncset.s32 $0xFFFFF086  }
0x25: {  	[simem:s6], [sflag:s4] =	dma.local [hbm:s3], $0xF7A  }
0x26: {  	[smem:$0x3F98] =	sst s1;
	(tag) =	ssettag s2;
	_ =	strace s9  }
0x27: {  	s1 =	sld [smem:$0x3FA8]  }
0x28: {  	s2 =	sld [smem:$0x3FA9]  }
0x29: {  	s4 =	sld [smem:$0x3FAB]  }
0x2a: {  	p0 =	seq.s32 s5, $0x0;
	s5 =	sld [smem:$0x3FAC]  }
0x2b: {  	s6 =	sld [smem:$0x3FAD]  }
0x2c: {  	s7 =	sld [smem:$0x3FAE]  }
0x2d: {  	s3 =	simm.s32 $0x108;
	s8 =	sld [smem:$0x3FAF]  }
0x2e: {  	s3 =	simm.s32 @!p0 $0x1082;
	s9 =	sld [smem:$0x3FB0]  }
0x2f: {  	lr =	sadd.s32 s0, s3;
	s0 =	sld [smem:$0x3FA7]  }
0x30: {  	s3 =	sld [smem:$0x3FAA]  }
0x31: {  	[smem:$0x3FB3] =	sst s10  }
0x32: {  	s10 =	sld [smem:$0x3FB1];
	_ =	sdelay $0x3  }
0x33: {  	p0 =	seq.s32 s10, $0x1;
	s10 =	sld [smem:$0x3FB3];
	_ =	sdelay $0x3  }
0x34: {  	[smem:$0x3FB3] =	sst s10  }
0x35: {  	s10 =	sld [smem:$0x3FB2];
	_ =	sdelay $0x3  }
0x36: {  	p1 =	seq.s32 s10, $0x1;
	s10 =	sld [smem:$0x3FB3];
	_ =	sdelay $0x3  }
0x37: {  	[smem:$0x3FB3] =	sst s10  }
0x38: {  	s10 =	sld [smem:$0x3FB4]  }
0x39: {  	_ = 	snop;
	(pc) =	sbr.ind lr, $3  }
0x3a: {  	_ = 	snop  }
0x3b: {  	_ = 	snop  }
0x3c: {  	p2 =	seq.s32 s10, $0x1;
	s10 =	sld [smem:$0x3FB3]  }
0x3d: {  	_ =	shalt  }
0x3e: {  	_ =	shalt  }
0x3f: {  	_ =	shalt  }
0x40: {  	_ =	shalt  }
0x41: {  	_ =	shalt  }
0x42: {  	_ =	shalt  }
0x43: {  	_ =	shalt  }
0x44: {  	_ =	shalt  }
0x45: {  	_ =	shalt  }
0x46: {  	_ =	shalt  }
0x47: {  	_ =	shalt  }
0x48: {  	_ =	shalt  }
0x49: {  	_ =	shalt  }
0x4a: {  	_ =	shalt  }
0x4b: {  	_ =	shalt  }
0x4c: {  	_ =	shalt  }
0x4d: {  	_ =	shalt  }
0x4e: {  	_ =	shalt  }
0x4f: {  	_ =	shalt  }
0x50: {  	_ =	shalt  }
0x51: {  	_ =	shalt  }
0x52: {  	_ =	shalt  }
0x53: {  	_ =	shalt  }
0x54: {  	_ =	shalt  }
0x55: {  	_ =	shalt  }
0x56: {  	_ =	shalt  }
0x57: {  	_ =	shalt  }
0x58: {  	_ =	shalt  }
0x59: {  	_ =	shalt  }
0x5a: {  	_ =	shalt  }
0x5b: {  	_ =	shalt  }
0x5c: {  	_ =	shalt  }
0x5d: {  	_ =	shalt  }
0x5e: {  	_ =	shalt  }
0x5f: {  	_ =	shalt  }
0x60: {  	_ =	shalt  }
0x61: {  	_ =	shalt  }
0x62: {  	_ =	shalt  }
0x63: {  	_ =	shalt  }
0x64: {  	_ =	shalt  }
0x65: {  	_ =	shalt  }
0x66: {  	_ =	shalt  }
0x67: {  	_ =	shalt  }
0x68: {  	_ =	shalt  }
0x69: {  	_ =	shalt  }
0x6a: {  	_ =	shalt  }
0x6b: {  	_ =	shalt  }
0x6c: {  	_ =	shalt  }
0x6d: {  	_ =	shalt  }
0x6e: {  	_ =	shalt  }
0x6f: {  	_ =	shalt  }
0x70: {  	_ =	shalt  }
0x71: {  	_ =	shalt  }
0x72: {  	_ =	shalt  }
0x73: {  	_ =	shalt  }
0x74: {  	_ =	shalt  }
0x75: {  	_ =	shalt  }
0x76: {  	_ =	shalt  }
0x77: {  	_ =	shalt  }
0x78: {  	_ =	shalt  }
0x79: {  	_ =	shalt  }
0x7a: {  	_ =	shalt  }
0x7b: {  	_ =	shalt  }
0x7c: {  	_ =	shalt  }
0x7d: {  	_ =	shalt  }
0x7e: {  	_ =	shalt  }
0x7f: {  	_ =	shalt  }
0x80: {  	_ =	shalt  }
0x81: {  	_ =	shalt  }
0x82: {  	_ =	shalt  }
0x83: {  	_ =	shalt  }
0x84: {  	_ =	shalt  }
0x85: {  	_ =	shalt  }
0x86: {  	_ =	shalt  }
0x87: {  	_ =	shalt  }
.Lfunc_end0:
.L_simem_size_0:
called_computation_lowered:
.L_overlay_start_0:
0x88: {  	s2 =	sld [smem:$0x3FD9]  }
0x89: {  	s3 =	sld [smem:$0x3FFE];
	_ =	sdelay $0x1  }
0x8a: {  	s1 =	srdreg.scid  }
0x8b: {  	s0 =	sand.u32 $0x1, s1  }
0x8c: {  	s17 =	sshll.u32 s0, $0xA;
	s2 =	sadd.s32 s3, s2  }
0x8d: {  	s2 =	sadd.s32 s2, s17  }
0x8e: {  	[smem:$0x3FBF] =	sst s2  }
0x8f: {  	_ = 	snop  }
0x90: {  	s2 =	sld [smem:$0x3FC9]  }
0x91: {  	s18 =	sld [smem:$0x3FD0];
	(tm) =	ssettm $0x1  }
0x92: {  	s4 =	sld [smem:$0x3FFB];
	_ =	sdelay $0x3  }
0x93: {  	_ =	strace s4  }
0x94: {  	s4 =	sld [smem:$0x3FFC];
	_ =	sdelay $0x3  }
0x95: {  	_ =	strace s4  }
0x96: {  	s4 =	sld [smem:$0x3FFD];
	_ =	sdelay $0x3  }
0x97: {  	_ =	strace s4  }
0x98: {  	_ =	strace $0x8FFFFFFF  }
0x99: {  	s19 =	sld [smem:$0x3FDB];
	_ =	sdelay $0x1  }
0x9a: {  	s5 =	simm.s32 $_scs_section_size  }
0x9b: {  	s6 =	simm.s32 $_size__tile_overlayer_lowered;
	s7 =	simm.s32 $_tile_overlayer_lowered  }
0x9c: {  	s22 =	simm.s32 $0x1BFF;
	s21 =	sshll.u32 s7, $0x1;
	s4 =	sadd.s32 s5, s19  }
0x9d: {  	s8 =	simm.s32 $0x0;
	s20 =	sshll.u32 s6, $0x1;
	s6 =	sadd.s32 s21, s4  }
0x9e: {  	[timem:s8], [sflag:s22] =	dma.local [hbm:s6], s20  }
0x9f: {  	_ =	swait.ge [sflag:s22], s20  }
0xa0: {  	s5 =	ssub.s32 $0x0, s20;
	[sflag:s22] =	ssyncset.done $0x0  }
0xa1: {  	[sflag:s22] =	ssyncadd.s32 s5;
	_ =	sdelay $0x1  }
0xa2: {  	s23 =	simm.s32 $0x1B8B  }
0xa3: {  	_ =	swait.ge [sflag:s23], $0x1  }
0xa4: {  	[sflag:s23] =	ssyncset.done $0x0  }
0xa5: {  	s25 =	simm.s32 $0x1B8E;
	s24 =	sld [smem:$0x3FFE];
	[sflag:s23] =	ssyncadd.s32 $0xFFFFFFFF  }
0xa6: {  	s26 =	simm.s32 $execute0_lowered;
	[smem:$0x3FD2] =	sst s25  }
0xa7: {  	s6 =	sshll.u32 s26, $0x1;
	_ =	strace $0x80000046;
	[dreg:$0x1] =	wrdreg $0xFFFFFFFF  }
0xa8: {  	s28 =	simm.s32 $_size_execute0_lowered;
	s4 =	sadd.s32 s4, s6;
	[dreg:$0x0] =	wrdreg $0x0  }
0xa9: {  	s6 =	sshll.u32 s28, $0x1;
	[dreg:$0x2] =	wrdreg s4  }
0xaa: {  	[dreg:$0x3] =	wrdreg s6  }
0xab: {  	[dreg:$0x4] =	wrdreg $0xC0  }
0xac: {  	_ =	task [dreg:s8], $0x5FFFF  }
0xad: {  	[dreg:$0x1] =	wrdreg $0xFFFFFFFF  }
0xae: {  	[dreg:$0x0] =	wrdreg $0x60  }
0xaf: {  	[dreg:$0x2] =	wrdreg s24  }
0xb0: {  	[dreg:$0x3] =	wrdreg s2  }
0xb1: {  	[dreg:$0x4] =	wrdreg s18  }
0xb2: {  	[dreg:$0x5] =	wrdreg $0x89000  }
0xb3: {  	[dreg:$0x6] =	wrdreg $0x9  }
0xb4: {  	_ =	task.clear_ibuf [dreg:s8], $0x7FFFF;
	_ =	strace $0x90000046  }
0xb5: {  	s29 =	simm.s32 $0x9;
	_ =	strace $0x80000048  }
0xb6: {  	_ =	swait.ge [sflag:s29], $0x1  }
0xb7: {  	[sflag:s29] =	ssyncadd.s32 $0xFFFFFFFF  }
0xb8: {  	_ =	strace $0x90000048  }
0xb9: {  	_ =	sfence  }
0xba: {  	s30 =	sld [smem:$0x0];
	_ =	sdelay $0x2  }
0xbb: {  	s31 =	sshll.u32 s1, $0xD;
	s1 =	sshrl.u32 s1, $0x2  }
0xbc: {  	s3 =	sand.u32 $0x4000, s31;
	s1 =	sadd.s32 s1, s30  }
0xbd: {  	s0 =	sor.u32 s3, s0;
	s1 =	sshll.u32 s1, $0x11  }
0xbe: {  	s0 =	sor.u32 s1, s0  }
0xbf: {  	s0 =	sadd.s32 $0x8F2B, s0  }
0xc0: {  	[sflag:s0] =	ssyncadd.remote.s32 $0x1  }
0xc1: {  	_ =	sfence.sel $0xFFFF  }
0xc2: {  	[dreg:$0x0] =	wrdreg $0xFFFFFFFF;
	(pc) =	sbr.abs _section_cstart, $3  }
0xc3: {  	[dreg:$0x1] =	wrdreg $0xFFFFFFFF  }
0xc4: {  	_ =	task.clear_ibuf [dreg:s8], $0x2FFFF;
	_ =	strace $0x9FFFFFFF  }
0xc5: {  	(tm) =	ssettm $0x7FFFFFFF  }
tec
execute0_lowered:
.L_overlay_start_1:
0x0: {  	(tag) =	ssettag $0x1  }
0x1: {  	s0 =	rddreg [dreg:$0x0]  }
0x2: {  	s1 =	rddreg [dreg:$0x1]  }
0x3: {  	s3 =	rddreg [dreg:$0x2]  }
0x4: {  	s4 =	rddreg [dreg:$0x3]  }
0x5: {  	s2 =	srdreg.scid;
	s10 =	stileid.u32  }
0x6: {  	s6 =	simm.s32 $0x0;
	s28 =	simm.s32 $0x80;
	s29 =	simm.s32 $0x8800  }
0x7: {  	s30 =	simm.s32 $0x4800;
	s31 =	simm.s32 $0x200;
	s2 =	sand.u32 $0x1, s2  }
0x8: {  	s5 =	sshll.u32 s10, $0x1;
	[smem:$0x7FF] =	sst s6;
	s26 =	smul.u32 $0x4E000, s10  }
0x9: {  	s20 =	smul.u32 $0x13800, s10;
	s22 =	sadd.s32 $0x138000, s4;
	p0 =	sne.s32 s10, $0xF  }
0xa: {  	s10 =	simm.s32 $0x3;
	s5 =	sor.u32 s2, s5;
	_ =	strace $0x80000047  }
0xb: {  	s8 =	ssub.s32 $0x2, s2;
	s2 =	smul.u32 $0x138800, s2;
	[dreg:$0xf] =	wrdreg s22  }
0xc: {  	s7 =	sshll.u32 s5, $0x6;
	s6 =	sshrl.u32 s26, $0x2;
	s9 =	sshrl.u32 s8, $0x1  }
0xd: {  	s7 =	sadd.s32 s7, s0;
	s0 =	sadd.s32 $0x51C00, s0;
	s21 =	sadd.s32 s6, s4  }
0xe: {  	s9 =	ssub.s32 s8, s9;
	s11 =	sadd.s32 $0x2000, s21;
	[dreg:$0x5] =	wrdreg s21  }
0xf: {  	s24 =	sadd.s32 s20, s2;
	s12 =	sadd.s32 $0x4000, s21;
	[dreg:$0x6] =	wrdreg s11  }
0x10: {  	s2 =	sshrl.u32 s2, $0x3;
	s13 =	sadd.s32 $0x6000, s21;
	[dreg:$0x7] =	wrdreg s12  }
0x11: {  	s8 =	simm.s32 $0x6800;
	s14 =	sadd.s32 $0x8000, s21;
	[dreg:$0x8] =	wrdreg s13  }
0x12: {  	s15 =	sadd.s32 $0xA000, s21;
	s16 =	sadd.s32 $0xC000, s21;
	[dreg:$0x9] =	wrdreg s14  }
0x13: {  	s17 =	sadd.s32 $0xE000, s21;
	s18 =	sadd.s32 $0x10000, s21;
	[dreg:$0xa] =	wrdreg s15  }
0x14: {  	s19 =	sadd.s32 $0x12000, s21;
	s23 =	sadd.s32 $0x2400, s7;
	[dreg:$0xb] =	wrdreg s16  }
0x15: {  	s2 =	sadd.s32 s0, s2;
	s20 =	sadd.s32 $0x4400, s7;
	[dreg:$0xc] =	wrdreg s17  }
0x16: {  	s26 =	smax.u32 s9, $0x1;
	s9 =	simm.s32 $0x400;
	[dreg:$0xd] =	wrdreg s18  }
0x17: {  	[dreg:$0xe] =	wrdreg s19;
	s13 =	sshll.u32 s5, $0x4;
	s17 =	sadd.s32 $0x1C00, s7  }
0x18: {  	[dreg:$0x10] =	wrdreg s23;
	s19 =	sadd.s32 $0x3C00, s7;
	s5 =	sshrl.u32 s24, $0x3  }
0x19: {  	s25 =	sadd.s32 $0x27000, s2;
	[dreg:$0x13] =	wrdreg s26;
	s24 =	simm.s32 $0x800  }
0x1a: {  	s26 =	simm.s32 $0x40;
	s7 =	simm.s32 $0x8880;
	s11 =	simm.s32 $0x1  }
0x1b: {  	s12 =	simm.s32 $0x5;
	s14 =	simm.s32 $0x600;
	s15 =	simm.s32 $0x4  }
0x1c: {  	s18 =	simm.s32 $0x6;
	s23 =	simm.s32 $0x0;
	s0 =	sadd.s32 s0, s5  }
0x1d: {  	[dreg:$0x12] =	wrdreg s25;
	s25 =	simm.s32 $0x7;
	s5 =	simm.s32 $0x2800  }
0x1e: {  	v1 =	vimm.f32 $0.0e+00;
	v0 =	vmov s13;
	s13 =	simm.s32 $0x0;
	[dreg:$0x11] =	wrdreg s0;
	s0 =	simm.s32 $0x2  }
.LBB2_1:
0x1f: {  	s6 =	simm.s32 $0x0  }
0x20: {  	s2 =	sand.u32 $0x7E00, s6  }
0x21: {  	[dreg:$0x14] =	wrdreg s13;
	s6 =	sand.u32 $0x70, s6;
	s16 =	sshrl.u32 s2, $0x2  }
0x22: {  	s2 =	simm.s32 $0x40;
	s13 =	sor.u32 s6, s16;
	s6 =	simm.s32 $0x0  }
.LBB2_2:
0x23: {  	p1 =	sne.s32 s2, $0x7FC0  }
0x24: {  	[tilespmem:s13+$0x800] =	vst v1;
	s6 =	sadd.s32 $0x10, s6;
	s13 =	smov.u32 s2;
	s2 =	sadd.s32 $0x40, s2  }
.Ltmp0:
0x25: {  	(pc) =	sbr.rel @p1 .LBB2_2-.Ltmp0, $4  }
0x26: {  	_ = 	snop  }
0x27: {  	s13 =	sand.u32 $0x7E00, s13  }
0x28: {  	s16 =	sand.u32 $0x70, s6;
	s13 =	sshrl.u32 s13, $0x2  }
0x29: {  	s13 =	sor.u32 s16, s13  }
0x2a: {  	[tilespmem:s13+$0x800] =	vst v1  }
0x2b: {  	[spmem:s21] =	stream.linear.scatter [tilespmem:s24], [sflag:$0x7], $0x2000, $0x38;
	[tilespmem:$0x1C380] =	vst v63  }
0x2c: {  	_ =	swait.ge [sflag:s25], $0x2000  }
0x2d: {  	[sflag:s25] =	ssyncset.done $0x0  }
0x2e: {  	s2 =	rddreg [dreg:$0x6];
	[sflag:s25] =	ssyncadd.s32 $0xFFFFE000  }
0x2f: {  	[spmem:s2] =	stream.linear.scatter [tilespmem:s24], [sflag:$0x7], $0x2000, $0x38;
	[tilespmem:$0x1C380] =	vst v63  }
0x30: {  	_ =	swait.ge [sflag:s25], $0x2000  }
0x31: {  	[sflag:s25] =	ssyncset.done $0x0  }
0x32: {  	s6 =	rddreg [dreg:$0x7];
	[sflag:s25] =	ssyncadd.s32 $0xFFFFE000  }
0x33: {  	[spmem:s6] =	stream.linear.scatter [tilespmem:s24], [sflag:$0x7], $0x2000, $0x38;
	[tilespmem:$0x1C380] =	vst v63  }
0x34: {  	_ =	swait.ge [sflag:s25], $0x2000  }
0x35: {  	[sflag:s25] =	ssyncset.done $0x0  }
0x36: {  	s13 =	rddreg [dreg:$0x8];
	[sflag:s25] =	ssyncadd.s32 $0xFFFFE000  }
0x37: {  	[spmem:s13] =	stream.linear.scatter [tilespmem:s24], [sflag:$0x7], $0x2000, $0x38;
	[tilespmem:$0x1C380] =	vst v63  }
0x38: {  	_ =	swait.ge [sflag:s25], $0x2000  }
0x39: {  	[sflag:s25] =	ssyncset.done $0x0  }
0x3a: {  	s16 =	rddreg [dreg:$0x9];
	[sflag:s25] =	ssyncadd.s32 $0xFFFFE000  }
0x3b: {  	[spmem:s16] =	stream.linear.scatter [tilespmem:s24], [sflag:$0x7], $0x2000, $0x38;
	[tilespmem:$0x1C380] =	vst v63  }
0x3c: {  	_ =	swait.ge [sflag:s25], $0x2000  }
0x3d: {  	[sflag:s25] =	ssyncset.done $0x0  }
0x3e: {  	s21 =	rddreg [dreg:$0xa];
	[sflag:s25] =	ssyncadd.s32 $0xFFFFE000  }
0x3f: {  	[spmem:s21] =	stream.linear.scatter [tilespmem:s24], [sflag:$0x7], $0x2000, $0x38;
	[tilespmem:$0x1C380] =	vst v63  }
0x40: {  	_ =	swait.ge [sflag:s25], $0x2000  }
0x41: {  	[sflag:s25] =	ssyncset.done $0x0  }
0x42: {  	s6 =	rddreg [dreg:$0xb];
	[sflag:s25] =	ssyncadd.s32 $0xFFFFE000  }
0x43: {  	[spmem:s6] =	stream.linear.scatter [tilespmem:s24], [sflag:$0x7], $0x2000, $0x38;
	[tilespmem:$0x1C380] =	vst v63  }
0x44: {  	_ =	swait.ge [sflag:s25], $0x2000  }
0x45: {  	[sflag:s25] =	ssyncset.done $0x0  }
0x46: {  	s13 =	rddreg [dreg:$0xc];
	[sflag:s25] =	ssyncadd.s32 $0xFFFFE000  }
0x47: {  	[spmem:s13] =	stream.linear.scatter [tilespmem:s24], [sflag:$0x7], $0x2000, $0x38;
	[tilespmem:$0x1C380] =	vst v63  }
0x48: {  	_ =	swait.ge [sflag:s25], $0x2000  }
0x49: {  	[sflag:s25] =	ssyncset.done $0x0  }
0x4a: {  	s16 =	rddreg [dreg:$0xd];
	[sflag:s25] =	ssyncadd.s32 $0xFFFFE000  }
0x4b: {  	[spmem:s16] =	stream.linear.scatter [tilespmem:s24], [sflag:$0x7], $0x2000, $0x38;
	[tilespmem:$0x1C380] =	vst v63  }
0x4c: {  	_ =	swait.ge [sflag:s25], $0x2000  }
0x4d: {  	[sflag:s25] =	ssyncset.done $0x0  }
0x4e: {  	s21 =	rddreg [dreg:$0xe];
	[sflag:s25] =	ssyncadd.s32 $0xFFFFE000  }
0x4f: {  	[spmem:s21] =	stream.linear.scatter [tilespmem:s24], [sflag:$0x7], $0x1800, $0x38;
	[tilespmem:$0x1C380] =	vst v63  }
0x50: {  	_ =	swait.ge [sflag:s25], $0x1800  }
0x51: {  	[sflag:s25] =	ssyncset.done $0x0  }
0x52: {  	s2 =	simm.s32 @!p0 $0x800;
	[sflag:s25] =	ssyncadd.s32 $0xFFFFE800  }
0x53: {  	[spmem:s22] =	stream.linear.scatter @!p0 [tilespmem:s2], [sflag:$0x7], $0x800, $0x38;
	[tilespmem:$0x1C380] =	vst v63  }
0x54: {  	s2 =	simm.s32 @!p0 $0x7  }
0x55: {  	_ =	swait.ge @!p0 [sflag:s2], $0x800  }
0x56: {  	[sflag:s2] =	ssyncset.done @!p0 $0x0  }
0x57: {  	[sflag:s2] =	ssyncadd.s32 @!p0 $0xFFFFF800  }
0x58: {  	[bflag:$0x0] =	sbarrier.arrive $0xFFFF  }
0x59: {  	[tilespmem:s23], [sflag:$0x7] =	stream.linear.gather [hbm4b:s17+s23], $0x200, $0x38;
	[tilespmem:$0x1C380] =	vst v63  }
0x5a: {  	_ =	swait.ge [sflag:s25], $0x200  }
0x5b: {  	[sflag:s25] =	ssyncset.done $0x0  }
0x5c: {  	[sflag:s25] =	ssyncadd.s32 $0xFFFFFE00  }
0x5d: {  	v2 =	vld [tilespmem:$0x100]  }
0x5e: {  	v3 =	vld [tilespmem:$0x180]  }
0x5f: {  	v4 =	vld [tilespmem:$0x110]  }
0x60: {  	v5 =	vld [tilespmem:$0x190]  }
0x61: {  	v6 =	vld [tilespmem:$0x120]  }
0x62: {  	v7 =	vld [tilespmem:$0x1A0]  }
0x63: {  	v8 =	vld [tilespmem:$0x130]  }
0x64: {  	v9 =	vld [tilespmem:$0x1B0]  }
0x65: {  	v2 =	vmul.u32 $0x3, v2  }
0x66: {  	v3 =	vadd.s32 v0, v3;
	v4 =	vmul.u32 $0x3, v4  }
0x67: {  	v62 =	vmul.u32 $0x3, v6;
	v2 =	vadd.s32 v2, v3;
	v3 =	vadd.s32 v0, v5  }
0x68: {  	v63 =	vmul.u32 $0x3, v8;
	[tilespmem:$0x8800] =	vst v2;
	v2 =	vadd.s32 v4, v3;
	v3 =	vadd.s32 v0, v7  }
0x69: {  	[tilespmem:$0x8810] =	vst v2;
	v2 =	vadd.s32 v62, v3;
	v3 =	vadd.s32 v0, v9  }
0x6a: {  	[tilespmem:$0x8820] =	vst v2;
	v2 =	vadd.s32 v63, v3  }
0x6b: {  	[tilespmem:$0x8830] =	vst v2  }
0x6c: {  	[tilespmem:s24], [sflag:$0x3] =	stream.indirect.gather [hbm4b:s1+s26], $0x80, s28, s26, $0xb8;
	[tilespmem:$0x1C380] =	vst v63  }
0x6d: {  	_ = 	snop  }
0x6e: {  	[tilespmem:s30], [sflag:$0x3] =	stream.indirect.gather [hbm4b:s3+s26], $0x80, s29, s26, $0xb8;
	[tilespmem:$0x1C380] =	vst v63  }
0x6f: {  	s16 =	simm.s32 $0x0;
	s22 =	rddreg [dreg:$0x10]  }
0x70: {  	[tilespmem:s31], [sflag:$0x2] =	stream.linear.gather [hbm4b:s22+s23], $0x200, $0x38;
	[tilespmem:$0x1C380] =	vst v63  }
.LBB2_4:
0x71: {  	_ =	swait.ge [sflag:s0], $0x200  }
0x72: {  	[sflag:s0] =	ssyncset.done $0x0  }
0x73: {  	[sflag:s0] =	ssyncadd.s32 $0xFFFFFE00  }
0x74: {  	v2 =	vld [tilespmem:$0x300]  }
0x75: {  	v3 =	vld [tilespmem:$0x380]  }
0x76: {  	v4 =	vld [tilespmem:$0x310]  }
0x77: {  	v5 =	vld [tilespmem:$0x390]  }
0x78: {  	v6 =	vld [tilespmem:$0x320]  }
0x79: {  	v7 =	vld [tilespmem:$0x3A0]  }
0x7a: {  	v8 =	vld [tilespmem:$0x330]  }
0x7b: {  	v9 =	vld [tilespmem:$0x3B0]  }
0x7c: {  	v2 =	vmul.u32 $0x3, v2  }
0x7d: {  	v3 =	vadd.s32 v0, v3;
	v4 =	vmul.u32 $0x3, v4  }
0x7e: {  	v2 =	vadd.s32 v2, v3;
	v3 =	vadd.s32 v0, v5;
	v5 =	vmul.u32 $0x3, v6  }
0x7f: {  	[tilespmem:$0x8880] =	vst v2;
	v2 =	vadd.s32 v4, v3;
	v3 =	vadd.s32 v0, v7;
	v4 =	vmul.u32 $0x3, v8  }
0x80: {  	[tilespmem:$0x8890] =	vst v2;
	v2 =	vadd.s32 v5, v3;
	v3 =	vadd.s32 v0, v9  }
0x81: {  	p1 =	seq.s32 s16, $0x0;
	[tilespmem:$0x88A0] =	vst v2;
	v2 =	vadd.s32 v4, v3  }
0x82: {  	s2 =	simm.s32 @!p1 $0x6;
	[tilespmem:$0x88B0] =	vst v2  }
0x83: {  	_ =	swait.ge @!p1 [sflag:s2], $0x2000  }
0x84: {  	[sflag:s2] =	ssyncset.done @!p1 $0x0  }
0x85: {  	s21 =	simm.s32 $0x280;
	s22 =	sshll.u32 s16, $0xD;
	[sflag:s2] =	ssyncadd.s32 @!p1 $0xFFFFE000  }
0x86: {  	[tilespmem:s5], [sflag:$0x4] =	stream.indirect.gather [hbm4b:s1+s26], $0x80, s21, s26, $0xb8;
	[tilespmem:$0x1C380] =	vst v63  }
0x87: {  	s22 =	sadd.s32 s22, s17  }
0x88: {  	[tilespmem:s8], [sflag:$0x4] =	stream.indirect.gather [hbm4b:s3+s26], $0x80, s7, s26, $0xb8;
	[tilespmem:$0x1C380] =	vst v63  }
0x89: {  	s2 =	sadd.s32 $0x1000, s22  }
0x8a: {  	[tilespmem:s9], [sflag:$0x1] =	stream.linear.gather [hbm4b:s2+s23], $0x200, $0x38;
	[tilespmem:$0x1C380] =	vst v63  }
0x8b: {  	_ =	swait.ge [sflag:s10], $0x2000  }
0x8c: {  	[sflag:s10] =	ssyncset.done $0x0  }
0x8d: {  	[sflag:s10] =	ssyncadd.s32 $0xFFFFE000  }
0x8e: {  	_ =	swait.ge [sflag:s10], $0x2000  }
0x8f: {  	[sflag:s10] =	ssyncset.done $0x0  }
0x90: {  	s2 =	simm.s32 $0x0;
	[sflag:s10] =	ssyncadd.s32 $0xFFFFE000  }
0x91: {  	v9 =	vld [tilespmem:s2+$0x4800]  }
0x92: {  	v13 =	vld [tilespmem:s2+$0x4810]  }
0x93: {  	v7 =	vld [tilespmem:s2+$0x4820]  }
0x94: {  	v6 =	vld [tilespmem:s2+$0x4830]  }
0x95: {  	v5 =	vld [tilespmem:s2+$0x4840]  }
0x96: {  	v4 =	vld [tilespmem:s2+$0x4850]  }
0x97: {  	v3 =	vld [tilespmem:s2+$0x4860]  }
0x98: {  	v2 =	vld [tilespmem:s2+$0x4870]  }
0x99: {  	v14 =	vld [tilespmem:s2+$0x800]  }
0x9a: {  	v15 =	vld [tilespmem:s2+$0x810]  }
0x9b: {  	v12 =	vld [tilespmem:s2+$0x820]  }
0x9c: {  	v11 =	vld [tilespmem:s2+$0x830]  }
0x9d: {  	v10 =	vld [tilespmem:s2+$0x840]  }
0x9e: {  	v8 =	vld [tilespmem:s2+$0x850];
	v14 =	vadd.f32 v9, v14  }
0x9f: {  	s6 =	sshll.u32 s16, $0x2;
	s13 =	simm.s32 $0x200;
	v13 =	vadd.f32 v13, v15;
	v9 =	vld [tilespmem:s2+$0x860]  }
.LBB2_5:
0xa0: {  	s21 =	sshra.s32 s13, $0x2;
	p1 =	sne.s32 s13, $0x7E00;
	[tilespmem:s2+$0x800] =	vst v14;
	v7 =	vadd.f32 v7, v12;
	v12 =	vld [tilespmem:s2+$0x870]  }
0xa1: {  	v14 =	vld [tilespmem:s21+$0x4800];
	[tilespmem:s2+$0x810] =	vst v13;
	v6 =	vadd.f32 v6, v11  }
0xa2: {  	v13 =	vld [tilespmem:s21+$0x4810];
	[tilespmem:s2+$0x820] =	vst v7;
	v5 =	vadd.f32 v5, v10  }
0xa3: {  	v7 =	vld [tilespmem:s21+$0x4820];
	[tilespmem:s2+$0x830] =	vst v6;
	v4 =	vadd.f32 v4, v8  }
0xa4: {  	v6 =	vld [tilespmem:s21+$0x4830];
	[tilespmem:s2+$0x840] =	vst v5;
	v3 =	vadd.f32 v3, v9  }
0xa5: {  	v5 =	vld [tilespmem:s21+$0x4840];
	[tilespmem:s2+$0x850] =	vst v4;
	v2 =	vadd.f32 v2, v12  }
0xa6: {  	v4 =	vld [tilespmem:s21+$0x4850];
	[tilespmem:s2+$0x860] =	vst v3  }
0xa7: {  	v3 =	vld [tilespmem:s21+$0x4860];
	[tilespmem:s2+$0x870] =	vst v2;
	s2 =	smov.u32 s21  }
0xa8: {  	v2 =	vld [tilespmem:s2+$0x4870]  }
0xa9: {  	v8 =	vld [tilespmem:s2+$0x800]  }
0xaa: {  	v9 =	vld [tilespmem:s2+$0x810]  }
.Ltmp1:
0xab: {  	v12 =	vld [tilespmem:s2+$0x820];
	(pc) =	sbr.rel @p1 .LBB2_5-.Ltmp1, $4  }
0xac: {  	v11 =	vld [tilespmem:s2+$0x830]  }
0xad: {  	v10 =	vld [tilespmem:s2+$0x840]  }
0xae: {  	v14 =	vadd.f32 v14, v8;
	v8 =	vld [tilespmem:s2+$0x850]  }
0xaf: {  	s13 =	sadd.s32 $0x200, s13;
	v13 =	vadd.f32 v13, v9;
	v9 =	vld [tilespmem:s2+$0x860]  }
0xb0: {  	[tilespmem:s2+$0x800] =	vst v14;
	v7 =	vadd.f32 v7, v12;
	v12 =	vld [tilespmem:s2+$0x870]  }
0xb1: {  	[tilespmem:s2+$0x810] =	vst v13;
	v6 =	vadd.f32 v6, v11  }
0xb2: {  	[tilespmem:s2+$0x820] =	vst v7;
	v5 =	vadd.f32 v5, v10  }
0xb3: {  	[tilespmem:s2+$0x830] =	vst v6;
	v4 =	vadd.f32 v4, v8  }
0xb4: {  	[tilespmem:s2+$0x840] =	vst v5;
	v3 =	vadd.f32 v3, v9  }
0xb5: {  	[tilespmem:s2+$0x850] =	vst v4;
	v2 =	vadd.f32 v2, v12  }
0xb6: {  	[tilespmem:s2+$0x860] =	vst v3  }
0xb7: {  	s21 =	simm.s32 $0x0;
	[tilespmem:s2+$0x870] =	vst v2  }
0xb8: {  	[spmem:s4] =	stream.indirect.scatter.add.f32 [tilespmem:s24], [sflag:$0x5], $0x80, s21, s26, $0xb8;
	[tilespmem:$0x1C380] =	vst v63  }
0xb9: {  	_ =	swait.ge [sflag:s11], $0x200  }
0xba: {  	[sflag:s11] =	ssyncset.done $0x0  }
0xbb: {  	[sflag:s11] =	ssyncadd.s32 $0xFFFFFE00  }
0xbc: {  	v2 =	vld [tilespmem:$0x500]  }
0xbd: {  	v3 =	vld [tilespmem:$0x580]  }
0xbe: {  	v4 =	vld [tilespmem:$0x510]  }
0xbf: {  	v5 =	vld [tilespmem:$0x590]  }
0xc0: {  	v6 =	vld [tilespmem:$0x520]  }
0xc1: {  	v7 =	vld [tilespmem:$0x5A0]  }
0xc2: {  	v8 =	vld [tilespmem:$0x530]  }
0xc3: {  	v9 =	vld [tilespmem:$0x5B0]  }
0xc4: {  	v2 =	vmul.u32 $0x3, v2  }
0xc5: {  	v3 =	vadd.s32 v0, v3;
	v4 =	vmul.u32 $0x3, v4  }
0xc6: {  	v2 =	vadd.s32 v2, v3;
	v3 =	vadd.s32 v0, v5;
	v5 =	vmul.u32 $0x3, v6  }
0xc7: {  	[tilespmem:$0x8800] =	vst v2;
	v2 =	vadd.s32 v4, v3;
	v3 =	vadd.s32 v0, v7;
	v4 =	vmul.u32 $0x3, v8  }
0xc8: {  	[tilespmem:$0x8810] =	vst v2;
	v2 =	vadd.s32 v5, v3;
	v3 =	vadd.s32 v0, v9  }
0xc9: {  	[tilespmem:$0x8820] =	vst v2;
	v2 =	vadd.s32 v4, v3  }
0xca: {  	[tilespmem:$0x8830] =	vst v2  }
0xcb: {  	_ =	swait.ge [sflag:s12], $0x2000  }
0xcc: {  	[sflag:s12] =	ssyncset.done $0x0  }
0xcd: {  	s13 =	simm.s32 $0x480;
	[sflag:s12] =	ssyncadd.s32 $0xFFFFE000  }
0xce: {  	[tilespmem:s24], [sflag:$0x3] =	stream.indirect.gather [hbm4b:s1+s26], $0x80, s13, s26, $0xb8;
	[tilespmem:$0x1C380] =	vst v63  }
0xcf: {  	_ = 	snop  }
0xd0: {  	[tilespmem:s30], [sflag:$0x3] =	stream.indirect.gather [hbm4b:s3+s26], $0x80, s29, s26, $0xb8;
	[tilespmem:$0x1C380] =	vst v63  }
0xd1: {  	s22 =	sadd.s32 $0x1800, s22  }
0xd2: {  	[tilespmem:s14], [sflag:$0x2] =	stream.linear.gather [hbm4b:s22+s21], $0x200, $0x38;
	[tilespmem:$0x1C380] =	vst v63  }
0xd3: {  	_ =	swait.ge [sflag:s15], $0x2000  }
0xd4: {  	[sflag:s15] =	ssyncset.done $0x0  }
0xd5: {  	[sflag:s15] =	ssyncadd.s32 $0xFFFFE000  }
0xd6: {  	_ =	swait.ge [sflag:s15], $0x2000  }
0xd7: {  	[sflag:s15] =	ssyncset.done $0x0  }
0xd8: {  	s2 =	simm.s32 $0x0;
	[sflag:s15] =	ssyncadd.s32 $0xFFFFE000  }
0xd9: {  	v9 =	vld [tilespmem:s2+$0x6800]  }
0xda: {  	v13 =	vld [tilespmem:s2+$0x6810]  }
0xdb: {  	v7 =	vld [tilespmem:s2+$0x6820]  }
0xdc: {  	v6 =	vld [tilespmem:s2+$0x6830]  }
0xdd: {  	v5 =	vld [tilespmem:s2+$0x6840]  }
0xde: {  	v4 =	vld [tilespmem:s2+$0x6850]  }
0xdf: {  	v3 =	vld [tilespmem:s2+$0x6860]  }
0xe0: {  	v2 =	vld [tilespmem:s2+$0x6870]  }
0xe1: {  	v14 =	vld [tilespmem:s2+$0x2800]  }
0xe2: {  	v15 =	vld [tilespmem:s2+$0x2810]  }
0xe3: {  	v12 =	vld [tilespmem:s2+$0x2820]  }
0xe4: {  	v11 =	vld [tilespmem:s2+$0x2830]  }
0xe5: {  	v10 =	vld [tilespmem:s2+$0x2840]  }
0xe6: {  	v8 =	vld [tilespmem:s2+$0x2850];
	v14 =	vadd.f32 v9, v14  }
0xe7: {  	s13 =	simm.s32 $0x200;
	v13 =	vadd.f32 v13, v15;
	v9 =	vld [tilespmem:s2+$0x2860]  }
.LBB2_7:
0xe8: {  	s21 =	sshra.s32 s13, $0x2;
	p1 =	sne.s32 s13, $0x7E00;
	[tilespmem:s2+$0x2800] =	vst v14;
	v7 =	vadd.f32 v7, v12;
	v12 =	vld [tilespmem:s2+$0x2870]  }
0xe9: {  	v14 =	vld [tilespmem:s21+$0x6800];
	[tilespmem:s2+$0x2810] =	vst v13;
	v6 =	vadd.f32 v6, v11  }
0xea: {  	v13 =	vld [tilespmem:s21+$0x6810];
	[tilespmem:s2+$0x2820] =	vst v7;
	v5 =	vadd.f32 v5, v10  }
0xeb: {  	v7 =	vld [tilespmem:s21+$0x6820];
	[tilespmem:s2+$0x2830] =	vst v6;
	v4 =	vadd.f32 v4, v8  }
0xec: {  	v6 =	vld [tilespmem:s21+$0x6830];
	[tilespmem:s2+$0x2840] =	vst v5;
	v3 =	vadd.f32 v3, v9  }
0xed: {  	v5 =	vld [tilespmem:s21+$0x6840];
	[tilespmem:s2+$0x2850] =	vst v4;
	v2 =	vadd.f32 v2, v12  }
0xee: {  	v4 =	vld [tilespmem:s21+$0x6850];
	[tilespmem:s2+$0x2860] =	vst v3  }
0xef: {  	v3 =	vld [tilespmem:s21+$0x6860];
	[tilespmem:s2+$0x2870] =	vst v2;
	s2 =	smov.u32 s21  }
0xf0: {  	v2 =	vld [tilespmem:s2+$0x6870]  }
0xf1: {  	v8 =	vld [tilespmem:s2+$0x2800]  }
0xf2: {  	v9 =	vld [tilespmem:s2+$0x2810]  }
.Ltmp2:
0xf3: {  	v12 =	vld [tilespmem:s2+$0x2820];
	(pc) =	sbr.rel @p1 .LBB2_7-.Ltmp2, $4  }
0xf4: {  	v11 =	vld [tilespmem:s2+$0x2830]  }
0xf5: {  	v10 =	vld [tilespmem:s2+$0x2840]  }
0xf6: {  	v14 =	vadd.f32 v14, v8;
	v8 =	vld [tilespmem:s2+$0x2850]  }
0xf7: {  	s13 =	sadd.s32 $0x200, s13;
	v13 =	vadd.f32 v13, v9;
	v9 =	vld [tilespmem:s2+$0x2860]  }
0xf8: {  	[tilespmem:s2+$0x2800] =	vst v14;
	v7 =	vadd.f32 v7, v12;
	v12 =	vld [tilespmem:s2+$0x2870]  }
0xf9: {  	[tilespmem:s2+$0x2810] =	vst v13;
	v6 =	vadd.f32 v6, v11  }
0xfa: {  	[tilespmem:s2+$0x2820] =	vst v7;
	v5 =	vadd.f32 v5, v10  }
0xfb: {  	[tilespmem:s2+$0x2830] =	vst v6;
	v4 =	vadd.f32 v4, v8  }
0xfc: {  	[tilespmem:s2+$0x2840] =	vst v5;
	v3 =	vadd.f32 v3, v9  }
0xfd: {  	[tilespmem:s2+$0x2850] =	vst v4;
	v2 =	vadd.f32 v2, v12  }
0xfe: {  	[tilespmem:s2+$0x2860] =	vst v3  }
0xff: {  	[tilespmem:s2+$0x2870] =	vst v2  }
0x100: {  	[spmem:s4] =	stream.indirect.scatter.add.f32 [tilespmem:s5], [sflag:$0x6], $0x80, s31, s26, $0xb8;
	[tilespmem:$0x1C380] =	vst v63  }
0x101: {  	_ =	swait.ge [sflag:s0], $0x200  }
0x102: {  	[sflag:s0] =	ssyncset.done $0x0  }
0x103: {  	[sflag:s0] =	ssyncadd.s32 $0xFFFFFE00  }
0x104: {  	v2 =	vld [tilespmem:$0x700]  }
0x105: {  	v3 =	vld [tilespmem:$0x780]  }
0x106: {  	v4 =	vld [tilespmem:$0x710]  }
0x107: {  	v5 =	vld [tilespmem:$0x790]  }
0x108: {  	v6 =	vld [tilespmem:$0x720]  }
0x109: {  	v7 =	vld [tilespmem:$0x7A0]  }
0x10a: {  	v8 =	vld [tilespmem:$0x730]  }
0x10b: {  	v9 =	vld [tilespmem:$0x7B0]  }
0x10c: {  	v2 =	vmul.u32 $0x3, v2  }
0x10d: {  	v3 =	vadd.s32 v0, v3;
	v4 =	vmul.u32 $0x3, v4  }
0x10e: {  	v2 =	vadd.s32 v2, v3;
	v3 =	vadd.s32 v0, v5;
	v5 =	vmul.u32 $0x3, v6  }
0x10f: {  	[tilespmem:$0x8880] =	vst v2;
	v2 =	vadd.s32 v4, v3;
	v3 =	vadd.s32 v0, v7;
	v4 =	vmul.u32 $0x3, v8  }
0x110: {  	[tilespmem:$0x8890] =	vst v2;
	v2 =	vadd.s32 v5, v3;
	v3 =	vadd.s32 v0, v9  }
0x111: {  	[tilespmem:$0x88A0] =	vst v2;
	v2 =	vadd.s32 v4, v3  }
0x112: {  	[tilespmem:$0x88B0] =	vst v2  }
0x113: {  	_ =	swait.ge [sflag:s18], $0x2000  }
0x114: {  	[sflag:s18] =	ssyncset.done $0x0  }
0x115: {  	s21 =	simm.s32 $0x680;
	s22 =	smin.u32 s6, $0x9B;
	[sflag:s18] =	ssyncadd.s32 $0xFFFFE000  }
0x116: {  	[tilespmem:s5], [sflag:$0x4] =	stream.indirect.gather [hbm4b:s1+s26], $0x80, s21, s26, $0xb8;
	[tilespmem:$0x1C380] =	vst v63  }
0x117: {  	s2 =	sshll.u32 s22, $0xB  }
0x118: {  	[tilespmem:s8], [sflag:$0x4] =	stream.indirect.gather [hbm4b:s3+s26], $0x80, s7, s26, $0xb8;
	[tilespmem:$0x1C380] =	vst v63  }
0x119: {  	s13 =	simm.s32 $0x0;
	s2 =	sadd.s32 s2, s19  }
0x11a: {  	[tilespmem:s13], [sflag:$0x1] =	stream.linear.gather [hbm4b:s2+s13], $0x200, $0x38;
	[tilespmem:$0x1C380] =	vst v63  }
0x11b: {  	_ =	swait.ge [sflag:s10], $0x2000  }
0x11c: {  	[sflag:s10] =	ssyncset.done $0x0  }
0x11d: {  	[sflag:s10] =	ssyncadd.s32 $0xFFFFE000  }
0x11e: {  	_ =	swait.ge [sflag:s10], $0x2000  }
0x11f: {  	[sflag:s10] =	ssyncset.done $0x0  }
0x120: {  	s2 =	simm.s32 $0x0;
	[sflag:s10] =	ssyncadd.s32 $0xFFFFE000  }
0x121: {  	v9 =	vld [tilespmem:s2+$0x4800]  }
0x122: {  	v13 =	vld [tilespmem:s2+$0x4810]  }
0x123: {  	v7 =	vld [tilespmem:s2+$0x4820]  }
0x124: {  	v6 =	vld [tilespmem:s2+$0x4830]  }
0x125: {  	v5 =	vld [tilespmem:s2+$0x4840]  }
0x126: {  	v4 =	vld [tilespmem:s2+$0x4850]  }
0x127: {  	v3 =	vld [tilespmem:s2+$0x4860]  }
0x128: {  	v2 =	vld [tilespmem:s2+$0x4870]  }
0x129: {  	v14 =	vld [tilespmem:s2+$0x800]  }
0x12a: {  	v15 =	vld [tilespmem:s2+$0x810]  }
0x12b: {  	v12 =	vld [tilespmem:s2+$0x820]  }
0x12c: {  	v11 =	vld [tilespmem:s2+$0x830]  }
0x12d: {  	v10 =	vld [tilespmem:s2+$0x840]  }
0x12e: {  	v8 =	vld [tilespmem:s2+$0x850];
	v14 =	vadd.f32 v9, v14  }
0x12f: {  	s13 =	simm.s32 $0x200;
	v13 =	vadd.f32 v13, v15;
	v9 =	vld [tilespmem:s2+$0x860]  }
.LBB2_9:
0x130: {  	s21 =	sshra.s32 s13, $0x2;
	p1 =	sne.s32 s13, $0x7E00;
	[tilespmem:s2+$0x800] =	vst v14;
	v7 =	vadd.f32 v7, v12;
	v12 =	vld [tilespmem:s2+$0x870]  }
0x131: {  	v14 =	vld [tilespmem:s21+$0x4800];
	[tilespmem:s2+$0x810] =	vst v13;
	v6 =	vadd.f32 v6, v11  }
0x132: {  	v13 =	vld [tilespmem:s21+$0x4810];
	[tilespmem:s2+$0x820] =	vst v7;
	v5 =	vadd.f32 v5, v10  }
0x133: {  	v7 =	vld [tilespmem:s21+$0x4820];
	[tilespmem:s2+$0x830] =	vst v6;
	v4 =	vadd.f32 v4, v8  }
0x134: {  	v6 =	vld [tilespmem:s21+$0x4830];
	[tilespmem:s2+$0x840] =	vst v5;
	v3 =	vadd.f32 v3, v9  }
0x135: {  	v5 =	vld [tilespmem:s21+$0x4840];
	[tilespmem:s2+$0x850] =	vst v4;
	v2 =	vadd.f32 v2, v12  }
0x136: {  	v4 =	vld [tilespmem:s21+$0x4850];
	[tilespmem:s2+$0x860] =	vst v3  }
0x137: {  	v3 =	vld [tilespmem:s21+$0x4860];
	[tilespmem:s2+$0x870] =	vst v2;
	s2 =	smov.u32 s21  }
0x138: {  	v2 =	vld [tilespmem:s2+$0x4870]  }
0x139: {  	v8 =	vld [tilespmem:s2+$0x800]  }
0x13a: {  	v9 =	vld [tilespmem:s2+$0x810]  }
.Ltmp3:
0x13b: {  	v12 =	vld [tilespmem:s2+$0x820];
	(pc) =	sbr.rel @p1 .LBB2_9-.Ltmp3, $4  }
0x13c: {  	v11 =	vld [tilespmem:s2+$0x830]  }
0x13d: {  	v10 =	vld [tilespmem:s2+$0x840]  }
0x13e: {  	v14 =	vadd.f32 v14, v8;
	v8 =	vld [tilespmem:s2+$0x850]  }
0x13f: {  	s13 =	sadd.s32 $0x200, s13;
	v13 =	vadd.f32 v13, v9;
	v9 =	vld [tilespmem:s2+$0x860]  }
0x140: {  	[tilespmem:s2+$0x800] =	vst v14;
	v7 =	vadd.f32 v7, v12;
	v12 =	vld [tilespmem:s2+$0x870]  }
0x141: {  	[tilespmem:s2+$0x810] =	vst v13;
	v6 =	vadd.f32 v6, v11  }
0x142: {  	[tilespmem:s2+$0x820] =	vst v7;
	v5 =	vadd.f32 v5, v10  }
0x143: {  	[tilespmem:s2+$0x830] =	vst v6;
	v4 =	vadd.f32 v4, v8  }
0x144: {  	[tilespmem:s2+$0x840] =	vst v5;
	v3 =	vadd.f32 v3, v9  }
0x145: {  	[tilespmem:s2+$0x850] =	vst v4;
	v2 =	vadd.f32 v2, v12  }
0x146: {  	[tilespmem:s2+$0x860] =	vst v3  }
0x147: {  	[tilespmem:s2+$0x870] =	vst v2  }
0x148: {  	[spmem:s4] =	stream.indirect.scatter.add.f32 [tilespmem:s24], [sflag:$0x5], $0x80, s9, s26, $0xb8;
	[tilespmem:$0x1C380] =	vst v63  }
0x149: {  	_ =	swait.ge [sflag:s11], $0x200  }
0x14a: {  	[sflag:s11] =	ssyncset.done $0x0  }
0x14b: {  	[sflag:s11] =	ssyncadd.s32 $0xFFFFFE00  }
0x14c: {  	v2 =	vld [tilespmem:$0x100]  }
0x14d: {  	v3 =	vld [tilespmem:$0x180]  }
0x14e: {  	v4 =	vld [tilespmem:$0x110]  }
0x14f: {  	v5 =	vld [tilespmem:$0x190]  }
0x150: {  	v6 =	vld [tilespmem:$0x120]  }
0x151: {  	v7 =	vld [tilespmem:$0x1A0]  }
0x152: {  	v8 =	vld [tilespmem:$0x130]  }
0x153: {  	v9 =	vld [tilespmem:$0x1B0]  }
0x154: {  	v2 =	vmul.u32 $0x3, v2  }
0x155: {  	v3 =	vadd.s32 v0, v3;
	v4 =	vmul.u32 $0x3, v4  }
0x156: {  	v2 =	vadd.s32 v2, v3;
	v3 =	vadd.s32 v0, v5;
	v5 =	vmul.u32 $0x3, v6  }
0x157: {  	[tilespmem:$0x8800] =	vst v2;
	v2 =	vadd.s32 v4, v3;
	v3 =	vadd.s32 v0, v7;
	v4 =	vmul.u32 $0x3, v8  }
0x158: {  	[tilespmem:$0x8810] =	vst v2;
	v2 =	vadd.s32 v5, v3;
	v3 =	vadd.s32 v0, v9  }
0x159: {  	[tilespmem:$0x8820] =	vst v2;
	v2 =	vadd.s32 v4, v3  }
0x15a: {  	[tilespmem:$0x8830] =	vst v2  }
0x15b: {  	_ =	swait.ge [sflag:s12], $0x2000  }
0x15c: {  	[sflag:s12] =	ssyncset.done $0x0  }
0x15d: {  	s21 =	smin.u32 s6, $0x9A;
	[sflag:s12] =	ssyncadd.s32 $0xFFFFE000  }
0x15e: {  	[tilespmem:s24], [sflag:$0x3] =	stream.indirect.gather [hbm4b:s1+s26], $0x80, s28, s26, $0xb8;
	[tilespmem:$0x1C380] =	vst v63  }
0x15f: {  	s2 =	sshll.u32 s21, $0xB  }
0x160: {  	[tilespmem:s30], [sflag:$0x3] =	stream.indirect.gather [hbm4b:s3+s26], $0x80, s29, s26, $0xb8;
	[tilespmem:$0x1C380] =	vst v63  }
0x161: {  	s22 =	simm.s32 $0x0;
	s2 =	sadd.s32 s2, s20  }
0x162: {  	[tilespmem:s31], [sflag:$0x2] =	stream.linear.gather [hbm4b:s2+s22], $0x200, $0x38;
	[tilespmem:$0x1C380] =	vst v63  }
0x163: {  	_ =	swait.ge [sflag:s15], $0x2000  }
0x164: {  	[sflag:s15] =	ssyncset.done $0x0  }
0x165: {  	[sflag:s15] =	ssyncadd.s32 $0xFFFFE000  }
0x166: {  	_ =	swait.ge [sflag:s15], $0x2000  }
0x167: {  	[sflag:s15] =	ssyncset.done $0x0  }
0x168: {  	s2 =	simm.s32 $0x0;
	[sflag:s15] =	ssyncadd.s32 $0xFFFFE000  }
0x169: {  	v9 =	vld [tilespmem:s2+$0x6800]  }
0x16a: {  	v13 =	vld [tilespmem:s2+$0x6810]  }
0x16b: {  	v7 =	vld [tilespmem:s2+$0x6820]  }
0x16c: {  	v6 =	vld [tilespmem:s2+$0x6830]  }
0x16d: {  	v5 =	vld [tilespmem:s2+$0x6840]  }
0x16e: {  	v4 =	vld [tilespmem:s2+$0x6850]  }
0x16f: {  	v3 =	vld [tilespmem:s2+$0x6860]  }
0x170: {  	v2 =	vld [tilespmem:s2+$0x6870]  }
0x171: {  	v14 =	vld [tilespmem:s2+$0x2800]  }
0x172: {  	v15 =	vld [tilespmem:s2+$0x2810]  }
0x173: {  	v12 =	vld [tilespmem:s2+$0x2820]  }
0x174: {  	v11 =	vld [tilespmem:s2+$0x2830]  }
0x175: {  	v10 =	vld [tilespmem:s2+$0x2840]  }
0x176: {  	v8 =	vld [tilespmem:s2+$0x2850];
	v14 =	vadd.f32 v9, v14  }
0x177: {  	s6 =	simm.s32 $0x200;
	v13 =	vadd.f32 v13, v15;
	v9 =	vld [tilespmem:s2+$0x2860]  }
.LBB2_11:
0x178: {  	s13 =	sshra.s32 s6, $0x2;
	p1 =	sne.s32 s6, $0x7E00;
	[tilespmem:s2+$0x2800] =	vst v14;
	v7 =	vadd.f32 v7, v12;
	v12 =	vld [tilespmem:s2+$0x2870]  }
0x179: {  	v14 =	vld [tilespmem:s13+$0x6800];
	[tilespmem:s2+$0x2810] =	vst v13;
	v6 =	vadd.f32 v6, v11  }
0x17a: {  	v13 =	vld [tilespmem:s13+$0x6810];
	[tilespmem:s2+$0x2820] =	vst v7;
	v5 =	vadd.f32 v5, v10  }
0x17b: {  	v7 =	vld [tilespmem:s13+$0x6820];
	[tilespmem:s2+$0x2830] =	vst v6;
	v4 =	vadd.f32 v4, v8  }
0x17c: {  	v6 =	vld [tilespmem:s13+$0x6830];
	[tilespmem:s2+$0x2840] =	vst v5;
	v3 =	vadd.f32 v3, v9  }
0x17d: {  	v5 =	vld [tilespmem:s13+$0x6840];
	[tilespmem:s2+$0x2850] =	vst v4;
	v2 =	vadd.f32 v2, v12  }
0x17e: {  	v4 =	vld [tilespmem:s13+$0x6850];
	[tilespmem:s2+$0x2860] =	vst v3  }
0x17f: {  	v3 =	vld [tilespmem:s13+$0x6860];
	[tilespmem:s2+$0x2870] =	vst v2;
	s2 =	smov.u32 s13  }
0x180: {  	v2 =	vld [tilespmem:s2+$0x6870]  }
0x181: {  	v8 =	vld [tilespmem:s2+$0x2800]  }
0x182: {  	v9 =	vld [tilespmem:s2+$0x2810]  }
.Ltmp4:
0x183: {  	v12 =	vld [tilespmem:s2+$0x2820];
	(pc) =	sbr.rel @p1 .LBB2_11-.Ltmp4, $4  }
0x184: {  	v11 =	vld [tilespmem:s2+$0x2830]  }
0x185: {  	v10 =	vld [tilespmem:s2+$0x2840]  }
0x186: {  	v14 =	vadd.f32 v14, v8;
	v8 =	vld [tilespmem:s2+$0x2850]  }
0x187: {  	s6 =	sadd.s32 $0x200, s6;
	v13 =	vadd.f32 v13, v9;
	v9 =	vld [tilespmem:s2+$0x2860]  }
0x188: {  	[tilespmem:s2+$0x2800] =	vst v14;
	v7 =	vadd.f32 v7, v12;
	v63 =	vld [tilespmem:s2+$0x2870]  }
0x189: {  	[tilespmem:s2+$0x2810] =	vst v13;
	v6 =	vadd.f32 v6, v11  }
0x18a: {  	s16 =	sadd.s32 $0x1, s16;
	[tilespmem:s2+$0x2820] =	vst v7;
	v5 =	vadd.f32 v5, v10  }
0x18b: {  	p1 =	sne.s32 s16, $0x28;
	[tilespmem:s2+$0x2830] =	vst v6;
	v4 =	vadd.f32 v4, v8  }
.Ltmp5:
0x18c: {  	[tilespmem:s2+$0x2840] =	vst v5;
	v3 =	vadd.f32 v3, v9;
	(pc) =	sbr.rel @p1 .LBB2_4-.Ltmp5, $4  }
0x18d: {  	[tilespmem:s2+$0x2850] =	vst v4;
	v2 =	vadd.f32 v2, v63  }
0x18e: {  	[tilespmem:s2+$0x2860] =	vst v3  }
0x18f: {  	[tilespmem:s2+$0x2870] =	vst v2  }
0x190: {  	[spmem:s4] =	stream.indirect.scatter.add.f32 [tilespmem:s5], [sflag:$0x6], $0x80, s14, s26, $0xb8;
	[tilespmem:$0x1C380] =	vst v63  }
0x191: {  	_ =	swait.ge [sflag:s0], $0x200  }
0x192: {  	[sflag:s0] =	ssyncset.done $0x0  }
0x193: {  	[sflag:s0] =	ssyncadd.s32 $0xFFFFFE00  }
0x194: {  	_ =	swait.ge [sflag:s10], $0x2000  }
0x195: {  	[sflag:s10] =	ssyncset.done $0x0  }
0x196: {  	[sflag:s10] =	ssyncadd.s32 $0xFFFFE000  }
0x197: {  	_ =	swait.ge [sflag:s10], $0x2000  }
0x198: {  	[sflag:s10] =	ssyncset.done $0x0  }
0x199: {  	[sflag:s10] =	ssyncadd.s32 $0xFFFFE000  }
0x19a: {  	_ =	swait.ge [sflag:s18], $0x2000  }
0x19b: {  	[sflag:s18] =	ssyncset.done $0x0  }
0x19c: {  	[sflag:s18] =	ssyncadd.s32 $0xFFFFE000  }
0x19d: {  	s2 =	stileid.u32;
	[bflag:$0x0] =	sbarrier.arrive $0xFFFF  }
0x19e: {  	s2 =	sshll.u32 s2, $0x6;
	s21 =	rddreg [dreg:$0x5]  }
0x19f: {  	s2 =	sor.u32 $0x1C07, s2;
	s13 =	rddreg [dreg:$0x11];
	s6 =	sshrl.u32 s21, $0x3  }
0x1a0: {  	[hbm:s13], [sflag:s2] =	dma.local [spmem:s6], $0x2700  }
0x1a1: {  	_ =	swait.ge [sflag:s25], $0x2700  }
0x1a2: {  	[sflag:s25] =	ssyncset.done $0x0;
	s22 =	rddreg [dreg:$0xf]  }
0x1a3: {  	s13 =	rddreg [dreg:$0x12];
	[sflag:s25] =	ssyncadd.s32 $0xFFFFD900;
	s6 =	sshrl.u32 @!p0 s22, $0x3  }
0x1a4: {  	[hbm:s13], [sflag:s2] =	dma.local @!p0 [spmem:s6], $0x100  }
0x1a5: {  	s2 =	simm.s32 @!p0 $0x7  }
0x1a6: {  	_ =	swait.ge @!p0 [sflag:s2], $0x100  }
0x1a7: {  	s6 =	rddreg [dreg:$0x14]  }
0x1a8: {  	s16 =	rddreg [dreg:$0x13];
	s13 =	sadd.s32 $0x1, s6  }
0x1a9: {  	p1 =	sne.s32 s13, s16  }
.Ltmp6:
0x1aa: {  	_ = 	snop;
	(pc) =	sbr.rel @p1 .LBB2_1-.Ltmp6, $3  }
0x1ab: {  	_ =	sdelay $0x1  }
0x1ac: {  	[sflag:s2] =	ssyncset.done @!p0 $0x0  }
0x1ad: {  	[sflag:s2] =	ssyncadd.s32 @!p0 $0xFFFFFF00  }
0x1ae: {  	_ =	sfence.sel $0x180000  }
0x1af: {  	[bflag:$0x0] =	sbarrier.arrive $0xFFFF  }
0x1b0: {  	_ =	strace $0x90000047  }
0x1b1: {  	s0 =	stileid.u32;
	[bflag:$0x2] =	sbarrier.arrive $0xFFFF  }
0x1b2: {  	p0 =	sne.s32 s0, $0x0;
	s0 =	rddreg [dreg:$0x4]  }
0x1b3: {  	s0 =	sadd.s32 @!p0 $0x100000, s0  }
0x1b4: {  	[sflag:s0] =	ssyncadd.tile.s32 @!p0 $0x1;
	_ =	shalt  }
.Lfunc_end2:
_tile_overlayer_lowered:
.L_overlay_start_2:
0x1b5: {  	(tag) =	ssettag $0x2  }
0x1b6: {  	s0 =	rddreg [dreg:$0x0];
	s2 =	stileid.u32  }
0x1b7: {  	s1 =	rddreg [dreg:$0x1];
	p0 =	sne.s32 s2, $0x0  }
0x1b8: {  	s3 =	rddreg [dreg:$0x2];
	[bflag:$0x3] =	sbarrier.arrive $0xFFFF;
	s2 =	simm.s32 @!p0 $0x1C07  }
0x1b9: {  	[timem:s3], [sflag:s2] =	dma.local @!p0 [hbm:s0], s1  }
0x1ba: {  	s0 =	simm.s32 @!p0 $0x7  }
0x1bb: {  	_ =	swait.ge @!p0 [sflag:s0], s1  }
0x1bc: {  	s1 =	ssub.s32 @!p0 $0x0, s1;
	[sflag:s0] =	ssyncset.done @!p0 $0x0  }
0x1bd: {  	[sflag:s0] =	ssyncadd.s32 @!p0 s1  }
0x1be: {  	[bflag:$0x3] =	sbarrier.arrive $0xFFFF  }
0x1bf: {  	_ =	shalt  }

</sc_bundles>
